<compile_context>
chip_gen: v7x
topology: tpu7x:2x2x1
jax: 0.10.2.dev20260603
libtpu: 0.0.44.dev20260713+nightly
codegen_flags: <defaults>
</compile_context>

<pallas_src>
import functools

import jax
import jax.numpy as jnp
from jax import lax
from jax.experimental import pallas as pl
from jax.experimental.pallas import tpu as pltpu
from jax.experimental.pallas import tpu_sc as plsc

NC = 2
NS = 16
NW = NC * NS
LANES = 16
NBUF = 4


def _build(B, L, D):
    assert D % LANES == 0 and B % NW == 0
    H1 = min(128, L)
    H2 = L - H1
    assert 0 < H2 <= 128
    S = B // NW
    DJ = D // LANES

    mesh = plsc.VectorSubcoreMesh(core_axis_name="c", subcore_axis_name="s")

    @functools.partial(
        pl.kernel,
        out_type=jax.ShapeDtypeStruct((B, L, 2 * D), jnp.float32),
        mesh=mesh,
        scratch_types=(
            [pltpu.VMEM((L,), jnp.int32) for _ in range(NBUF)]
            + [pltpu.VMEM((L, D), jnp.float32) for _ in range(NBUF)]
            + [pltpu.VMEM((L, D), jnp.float32)]
            + [pltpu.SemaphoreType.DMA for _ in range(2 * NBUF)]
        ),
        compiler_params=pltpu.CompilerParams(use_tc_tiling_on_sc=False),
    )
    def emb(x_hbm, table_hbm, pe_hbm, out_hbm, *refs):
        idx = refs[0:NBUF]
        rows = refs[NBUF:2 * NBUF]
        pe_v = refs[2 * NBUF]
        gsem = refs[2 * NBUF + 1:2 * NBUF + 1 + NBUF]
        osem = refs[2 * NBUF + 1 + NBUF:]

        wid = lax.axis_index("s") * NC + lax.axis_index("c")
        seq0 = wid * S

        pltpu.sync_copy(pe_hbm, pe_v)

        def start_gather(b, s):
            g = seq0 + s
            pltpu.sync_copy(x_hbm.at[pl.ds(g * L, L)], idx[b])
            pltpu.async_copy(table_hbm.at[idx[b].at[pl.ds(0, H1)]],
                             rows[b].at[pl.ds(0, H1)], gsem[b])
            pltpu.async_copy(table_hbm.at[idx[b].at[pl.ds(H1, H2)]],
                             rows[b].at[pl.ds(H1, H2)], gsem[b])

        def wait_gather(b):
            pltpu.make_async_copy(table_hbm.at[idx[b].at[pl.ds(0, H1)]],
                                  rows[b].at[pl.ds(0, H1)], gsem[b]).wait()
            pltpu.make_async_copy(table_hbm.at[idx[b].at[pl.ds(H1, H2)]],
                                  rows[b].at[pl.ds(H1, H2)], gsem[b]).wait()

        def start_out(b, s):
            pltpu.async_copy(rows[b], out_hbm.at[seq0 + s].at[:, pl.ds(0, D)],
                             osem[b])

        def wait_out(b, s):
            pltpu.make_async_copy(rows[b],
                                  out_hbm.at[seq0 + s].at[:, pl.ds(0, D)],
                                  osem[b]).wait()

        for b in range(NBUF):
            start_gather(b, b)

        @pl.loop(0, S // NBUF)
        def _(it):
            s_base = it * NBUF
            for b in range(NBUF):
                s = s_base + b
                wait_gather(b)

                @pl.loop(0, L)
                def _(i):
                    for j in range(DJ):
                        sl = pl.ds(j * LANES, LANES)
                        rows[b][i, sl] = rows[b][i, sl] + pe_v[i, sl]

                start_out(b, s)

                @pl.when(s + NBUF < S)
                def _():
                    wait_out(b, s)
                    start_gather(b, s + NBUF)

        for b in range(NBUF):
            wait_out(b, S - NBUF + b)

    return emb


def kernel(x, table, pe):
    B, L = x.shape
    V, D = table.shape
    emb = _build(B, L, D)
    tab2 = jnp.pad(table, ((0, 0), (0, D))).reshape(2 * V, D)
    x2 = (x.astype(jnp.int32) * 2).reshape(B * L)
    return emb(x2, tab2, pe.astype(jnp.float32))[:, :, :D]

# --- scband reference (transcript-rebuilt; emitter-appended) ---
"""Pipeline reference for scband-transformer-embedding-block-31834297598624 (READ-ONLY COPY).

The authoritative reference and input builder live on the scoring server;
editing this copy changes nothing except your own understanding.
"""

import jax, jax.numpy as jnp
import numpy as np

VOCAB = 1000000
D_MODEL = 64
INPUT_LEN = 200
BATCH = 1024

def _sinusoidal_pe(max_len, d_model):
    pos = np.arange(max_len, dtype=np.float32)[:, None]
    div = np.exp(np.arange(0, d_model, 2, dtype=np.float32) * -(np.log(10000.0) / d_model))
    pe = np.zeros((max_len, d_model), dtype=np.float32)
    pe[:, 0::2] = np.sin(pos * div)
    pe[:, 1::2] = np.cos(pos * div)
    return jnp.asarray(pe)

def setup_inputs(seed: int = 0) -> dict:
    key = jax.random.key(seed)
    k1, k2 = jax.random.split(key)
    x = jax.random.randint(k1, (BATCH, INPUT_LEN), 0, VOCAB, dtype=jnp.int64 if jax.config.jax_enable_x64 else jnp.int32)
    table = jax.random.normal(k2, (VOCAB, D_MODEL), dtype=jnp.float32) * 0.02
    pe = _sinusoidal_pe(INPUT_LEN, D_MODEL)
    return {"x": x, "table": table, "pe": pe}

def reference(x, table, pe):
    # TokenEmbeddingLayer: embedding lookup
    tok = jnp.take(table, x, axis=0)            # [B, L, D]
    # PositionalEncodingLayer: sinusoidal PE for the first L positions
    pos = pe[: x.shape[1]][None, :, :]          # [1, L, D]
    # Dropout with p=0.0 is identity (eval/deterministic)
    return tok + pos

if __name__ == "__main__":
    import jax
    _d = setup_inputs()
    print(jax.jit(kernel)(*tuple(_d.values())))

</pallas_src>

<mosaic_0001>
#map = affine_map<(d0, d1) -> (0)>
#map1 = affine_map<(d0, d1) -> (0, 0)>
#map2 = affine_map<(d0, d1) -> (0, 0, 0)>
module attributes {stable_mosaic.version = 14 : i64} {
  func.func @emb(%arg0: i32, %arg1: i32, %arg2: memref<204800xi32, #tpu.memory_space<hbm>>, %arg3: memref<2000000x64xf32, #tpu.memory_space<hbm>>, %arg4: memref<200x64xf32, #tpu.memory_space<hbm>>, %arg5: memref<1024x200x128xf32, #tpu.memory_space<hbm>>, %arg6: memref<200xi32, #tpu.memory_space<vmem>>, %arg7: memref<200xi32, #tpu.memory_space<vmem>>, %arg8: memref<200xi32, #tpu.memory_space<vmem>>, %arg9: memref<200xi32, #tpu.memory_space<vmem>>, %arg10: memref<200x64xf32, #tpu.memory_space<vmem>>, %arg11: memref<200x64xf32, #tpu.memory_space<vmem>>, %arg12: memref<200x64xf32, #tpu.memory_space<vmem>>, %arg13: memref<200x64xf32, #tpu.memory_space<vmem>>, %arg14: memref<200x64xf32, #tpu.memory_space<vmem>>, %arg15: memref<!tpu.dma_semaphore, #tpu.memory_space<semaphore_mem>>, %arg16: memref<!tpu.dma_semaphore, #tpu.memory_space<semaphore_mem>>, %arg17: memref<!tpu.dma_semaphore, #tpu.memory_space<semaphore_mem>>, %arg18: memref<!tpu.dma_semaphore, #tpu.memory_space<semaphore_mem>>, %arg19: memref<!tpu.dma_semaphore, #tpu.memory_space<semaphore_mem>>, %arg20: memref<!tpu.dma_semaphore, #tpu.memory_space<semaphore_mem>>, %arg21: memref<!tpu.dma_semaphore, #tpu.memory_space<semaphore_mem>>, %arg22: memref<!tpu.dma_semaphore, #tpu.memory_space<semaphore_mem>>) attributes {dimension_semantics = [#tpu.dimension_semantics<core_parallel>, #tpu.dimension_semantics<subcore_parallel>], iteration_bounds = array<i64: 2, 16>, scalar_prefetch = 0 : i64, scratch_operands = 17 : i64, tpu.core_type = #tpu.core_type<sc_vector_subcore>, window_params = [{transform_indices = #map}, {transform_indices = #map1}, {transform_indices = #map1}, {transform_indices = #map2}]} {
    %mul3A = arith.constant 2 : i32
    %mul3A_0 = arith.muli %arg1, %mul3A : i32
    %add3A = arith.addi %mul3A_0, %arg0 : i32
    %mul3A_1 = arith.constant 32 : i32
    %mul3A_2 = arith.muli %add3A, %mul3A_1 : i32
    "tpu.region"() ({
      %run_scoped3A = tpu.sem_alloc : memref<!tpu.dma_semaphore, #tpu.memory_space<semaphore_mem>>
      tpu.enqueue_dma source(%arg4 : memref<200x64xf32, #tpu.memory_space<hbm>>) target(%arg14 : memref<200x64xf32, #tpu.memory_space<vmem>>) target_semaphore(%run_scoped3A : memref<!tpu.dma_semaphore, #tpu.memory_space<semaphore_mem>>)
      tpu.wait_dma2 semaphore(%run_scoped3A : memref<!tpu.dma_semaphore, #tpu.memory_space<semaphore_mem>>) src(%arg4 : memref<200x64xf32, #tpu.memory_space<hbm>>) dst(%arg14 : memref<200x64xf32, #tpu.memory_space<vmem>>)
      tpu.yield
    }) : () -> ()
    %add3A_3 = arith.constant 0 : i32
    %add3A_4 = arith.addi %mul3A_2, %add3A_3 : i32
    %mul3A_5 = arith.constant 200 : i32
    %mul3A_6 = arith.muli %add3A_4, %mul3A_5 : i32
    "tpu.region"() ({
      %run_scoped3A = tpu.sem_alloc : memref<!tpu.dma_semaphore, #tpu.memory_space<semaphore_mem>>
      %dma_start3A_149 = tpu.memref_slice %arg2[%mul3A_6] : memref<204800xi32, #tpu.memory_space<hbm>> -> memref<200xi32, #tpu.memory_space<hbm>>
      %dma_start3A_150 = tpu.memref_slice %arg2[%mul3A_6] : memref<204800xi32, #tpu.memory_space<hbm>> -> memref<200xi32, #tpu.memory_space<hbm>>
      tpu.enqueue_dma source(%dma_start3A_150 : memref<200xi32, #tpu.memory_space<hbm>>) target(%arg6 : memref<200xi32, #tpu.memory_space<vmem>>) target_semaphore(%run_scoped3A : memref<!tpu.dma_semaphore, #tpu.memory_space<semaphore_mem>>)
      %dma_wait3A_151 = tpu.memref_slice %arg2[%mul3A_6] : memref<204800xi32, #tpu.memory_space<hbm>> -> memref<200xi32, #tpu.memory_space<hbm>>
      %dma_wait3A_152 = tpu.memref_slice %arg2[%mul3A_6] : memref<204800xi32, #tpu.memory_space<hbm>> -> memref<200xi32, #tpu.memory_space<hbm>>
      tpu.wait_dma2 semaphore(%run_scoped3A : memref<!tpu.dma_semaphore, #tpu.memory_space<semaphore_mem>>) src(%dma_wait3A_152 : memref<200xi32, #tpu.memory_space<hbm>>) dst(%arg6 : memref<200xi32, #tpu.memory_space<vmem>>)
      tpu.yield
    }) : () -> ()
    %dma_start3A = arith.constant 0 : i32
    %dma_start3A_7 = arith.constant 0 : i32
    %dma_start3A_8 = tpu.memref_slice %arg10[%dma_start3A, %dma_start3A_7] : memref<200x64xf32, #tpu.memory_space<vmem>> -> memref<128x64xf32, #tpu.memory_space<vmem>>
    %dma_start3A_9 = arith.constant 0 : i32
    %dma_start3A_10 = tpu.memref_slice %arg6[%dma_start3A_9] : memref<200xi32, #tpu.memory_space<vmem>> -> memref<128xi32, #tpu.memory_space<vmem>>
    %dma_start3A_11 = arith.constant 0 : i32
    %dma_start3A_12 = arith.constant 0 : i32
    %dma_start3A_13 = tpu.memref_slice %arg3[%dma_start3A_11, %dma_start3A_12] : memref<2000000x64xf32, #tpu.memory_space<hbm>> -> memref<2000000x64xf32, #tpu.memory_space<hbm>>
    tpu.enqueue_indirect_dma source(%dma_start3A_13 : memref<2000000x64xf32, #tpu.memory_space<hbm>>) target(%dma_start3A_8 : memref<128x64xf32, #tpu.memory_space<vmem>>) offsets(%dma_start3A_10 : memref<128xi32, #tpu.memory_space<vmem>>) semaphore(%arg15 : memref<!tpu.dma_semaphore, #tpu.memory_space<semaphore_mem>>)
    %dma_start3A_14 = arith.constant 128 : i32
    %dma_start3A_15 = arith.constant 0 : i32
    %dma_start3A_16 = tpu.memref_slice %arg10[%dma_start3A_14, %dma_start3A_15] : memref<200x64xf32, #tpu.memory_space<vmem>> -> memref<72x64xf32, #tpu.memory_space<vmem>>
    %dma_start3A_17 = arith.constant 128 : i32
    %dma_start3A_18 = tpu.memref_slice %arg6[%dma_start3A_17] : memref<200xi32, #tpu.memory_space<vmem>> -> memref<72xi32, #tpu.memory_space<vmem>>
    %dma_start3A_19 = arith.constant 0 : i32
    %dma_start3A_20 = arith.constant 0 : i32
    %dma_start3A_21 = tpu.memref_slice %arg3[%dma_start3A_19, %dma_start3A_20] : memref<2000000x64xf32, #tpu.memory_space<hbm>> -> memref<2000000x64xf32, #tpu.memory_space<hbm>>
    tpu.enqueue_indirect_dma source(%dma_start3A_21 : memref<2000000x64xf32, #tpu.memory_space<hbm>>) target(%dma_start3A_16 : memref<72x64xf32, #tpu.memory_space<vmem>>) offsets(%dma_start3A_18 : memref<72xi32, #tpu.memory_space<vmem>>) semaphore(%arg15 : memref<!tpu.dma_semaphore, #tpu.memory_space<semaphore_mem>>)
    %add3A_22 = arith.constant 1 : i32
    %add3A_23 = arith.addi %mul3A_2, %add3A_22 : i32
    %mul3A_24 = arith.constant 200 : i32
    %mul3A_25 = arith.muli %add3A_23, %mul3A_24 : i32
    "tpu.region"() ({
      %run_scoped3A = tpu.sem_alloc : memref<!tpu.dma_semaphore, #tpu.memory_space<semaphore_mem>>
      %dma_start3A_149 = tpu.memref_slice %arg2[%mul3A_25] : memref<204800xi32, #tpu.memory_space<hbm>> -> memref<200xi32, #tpu.memory_space<hbm>>
      %dma_start3A_150 = tpu.memref_slice %arg2[%mul3A_25] : memref<204800xi32, #tpu.memory_space<hbm>> -> memref<200xi32, #tpu.memory_space<hbm>>
      tpu.enqueue_dma source(%dma_start3A_150 : memref<200xi32, #tpu.memory_space<hbm>>) target(%arg7 : memref<200xi32, #tpu.memory_space<vmem>>) target_semaphore(%run_scoped3A : memref<!tpu.dma_semaphore, #tpu.memory_space<semaphore_mem>>)
      %dma_wait3A_151 = tpu.memref_slice %arg2[%mul3A_25] : memref<204800xi32, #tpu.memory_space<hbm>> -> memref<200xi32, #tpu.memory_space<hbm>>
      %dma_wait3A_152 = tpu.memref_slice %arg2[%mul3A_25] : memref<204800xi32, #tpu.memory_space<hbm>> -> memref<200xi32, #tpu.memory_space<hbm>>
      tpu.wait_dma2 semaphore(%run_scoped3A : memref<!tpu.dma_semaphore, #tpu.memory_space<semaphore_mem>>) src(%dma_wait3A_152 : memref<200xi32, #tpu.memory_space<hbm>>) dst(%arg7 : memref<200xi32, #tpu.memory_space<vmem>>)
      tpu.yield
    }) : () -> ()
    %dma_start3A_26 = arith.constant 0 : i32
    %dma_start3A_27 = arith.constant 0 : i32
    %dma_start3A_28 = tpu.memref_slice %arg11[%dma_start3A_26, %dma_start3A_27] : memref<200x64xf32, #tpu.memory_space<vmem>> -> memref<128x64xf32, #tpu.memory_space<vmem>>
    %dma_start3A_29 = arith.constant 0 : i32
    %dma_start3A_30 = tpu.memref_slice %arg7[%dma_start3A_29] : memref<200xi32, #tpu.memory_space<vmem>> -> memref<128xi32, #tpu.memory_space<vmem>>
    %dma_start3A_31 = arith.constant 0 : i32
    %dma_start3A_32 = arith.constant 0 : i32
    %dma_start3A_33 = tpu.memref_slice %arg3[%dma_start3A_31, %dma_start3A_32] : memref<2000000x64xf32, #tpu.memory_space<hbm>> -> memref<2000000x64xf32, #tpu.memory_space<hbm>>
    tpu.enqueue_indirect_dma source(%dma_start3A_33 : memref<2000000x64xf32, #tpu.memory_space<hbm>>) target(%dma_start3A_28 : memref<128x64xf32, #tpu.memory_space<vmem>>) offsets(%dma_start3A_30 : memref<128xi32, #tpu.memory_space<vmem>>) semaphore(%arg16 : memref<!tpu.dma_semaphore, #tpu.memory_space<semaphore_mem>>)
    %dma_start3A_34 = arith.constant 128 : i32
    %dma_start3A_35 = arith.constant 0 : i32
    %dma_start3A_36 = tpu.memref_slice %arg11[%dma_start3A_34, %dma_start3A_35] : memref<200x64xf32, #tpu.memory_space<vmem>> -> memref<72x64xf32, #tpu.memory_space<vmem>>
    %dma_start3A_37 = arith.constant 128 : i32
    %dma_start3A_38 = tpu.memref_slice %arg7[%dma_start3A_37] : memref<200xi32, #tpu.memory_space<vmem>> -> memref<72xi32, #tpu.memory_space<vmem>>
    %dma_start3A_39 = arith.constant 0 : i32
    %dma_start3A_40 = arith.constant 0 : i32
    %dma_start3A_41 = tpu.memref_slice %arg3[%dma_start3A_39, %dma_start3A_40] : memref<2000000x64xf32, #tpu.memory_space<hbm>> -> memref<2000000x64xf32, #tpu.memory_space<hbm>>
    tpu.enqueue_indirect_dma source(%dma_start3A_41 : memref<2000000x64xf32, #tpu.memory_space<hbm>>) target(%dma_start3A_36 : memref<72x64xf32, #tpu.memory_space<vmem>>) offsets(%dma_start3A_38 : memref<72xi32, #tpu.memory_space<vmem>>) semaphore(%arg16 : memref<!tpu.dma_semaphore, #tpu.memory_space<semaphore_mem>>)
    %add3A_42 = arith.constant 2 : i32
    %add3A_43 = arith.addi %mul3A_2, %add3A_42 : i32
    %mul3A_44 = arith.constant 200 : i32
    %mul3A_45 = arith.muli %add3A_43, %mul3A_44 : i32
    "tpu.region"() ({
      %run_scoped3A = tpu.sem_alloc : memref<!tpu.dma_semaphore, #tpu.memory_space<semaphore_mem>>
      %dma_start3A_149 = tpu.memref_slice %arg2[%mul3A_45] : memref<204800xi32, #tpu.memory_space<hbm>> -> memref<200xi32, #tpu.memory_space<hbm>>
      %dma_start3A_150 = tpu.memref_slice %arg2[%mul3A_45] : memref<204800xi32, #tpu.memory_space<hbm>> -> memref<200xi32, #tpu.memory_space<hbm>>
      tpu.enqueue_dma source(%dma_start3A_150 : memref<200xi32, #tpu.memory_space<hbm>>) target(%arg8 : memref<200xi32, #tpu.memory_space<vmem>>) target_semaphore(%run_scoped3A : memref<!tpu.dma_semaphore, #tpu.memory_space<semaphore_mem>>)
      %dma_wait3A_151 = tpu.memref_slice %arg2[%mul3A_45] : memref<204800xi32, #tpu.memory_space<hbm>> -> memref<200xi32, #tpu.memory_space<hbm>>
      %dma_wait3A_152 = tpu.memref_slice %arg2[%mul3A_45] : memref<204800xi32, #tpu.memory_space<hbm>> -> memref<200xi32, #tpu.memory_space<hbm>>
      tpu.wait_dma2 semaphore(%run_scoped3A : memref<!tpu.dma_semaphore, #tpu.memory_space<semaphore_mem>>) src(%dma_wait3A_152 : memref<200xi32, #tpu.memory_space<hbm>>) dst(%arg8 : memref<200xi32, #tpu.memory_space<vmem>>)
      tpu.yield
    }) : () -> ()
    %dma_start3A_46 = arith.constant 0 : i32
    %dma_start3A_47 = arith.constant 0 : i32
    %dma_start3A_48 = tpu.memref_slice %arg12[%dma_start3A_46, %dma_start3A_47] : memref<200x64xf32, #tpu.memory_space<vmem>> -> memref<128x64xf32, #tpu.memory_space<vmem>>
    %dma_start3A_49 = arith.constant 0 : i32
    %dma_start3A_50 = tpu.memref_slice %arg8[%dma_start3A_49] : memref<200xi32, #tpu.memory_space<vmem>> -> memref<128xi32, #tpu.memory_space<vmem>>
    %dma_start3A_51 = arith.constant 0 : i32
    %dma_start3A_52 = arith.constant 0 : i32
    %dma_start3A_53 = tpu.memref_slice %arg3[%dma_start3A_51, %dma_start3A_52] : memref<2000000x64xf32, #tpu.memory_space<hbm>> -> memref<2000000x64xf32, #tpu.memory_space<hbm>>
    tpu.enqueue_indirect_dma source(%dma_start3A_53 : memref<2000000x64xf32, #tpu.memory_space<hbm>>) target(%dma_start3A_48 : memref<128x64xf32, #tpu.memory_space<vmem>>) offsets(%dma_start3A_50 : memref<128xi32, #tpu.memory_space<vmem>>) semaphore(%arg17 : memref<!tpu.dma_semaphore, #tpu.memory_space<semaphore_mem>>)
    %dma_start3A_54 = arith.constant 128 : i32
    %dma_start3A_55 = arith.constant 0 : i32
    %dma_start3A_56 = tpu.memref_slice %arg12[%dma_start3A_54, %dma_start3A_55] : memref<200x64xf32, #tpu.memory_space<vmem>> -> memref<72x64xf32, #tpu.memory_space<vmem>>
    %dma_start3A_57 = arith.constant 128 : i32
    %dma_start3A_58 = tpu.memref_slice %arg8[%dma_start3A_57] : memref<200xi32, #tpu.memory_space<vmem>> -> memref<72xi32, #tpu.memory_space<vmem>>
    %dma_start3A_59 = arith.constant 0 : i32
    %dma_start3A_60 = arith.constant 0 : i32
    %dma_start3A_61 = tpu.memref_slice %arg3[%dma_start3A_59, %dma_start3A_60] : memref<2000000x64xf32, #tpu.memory_space<hbm>> -> memref<2000000x64xf32, #tpu.memory_space<hbm>>
    tpu.enqueue_indirect_dma source(%dma_start3A_61 : memref<2000000x64xf32, #tpu.memory_space<hbm>>) target(%dma_start3A_56 : memref<72x64xf32, #tpu.memory_space<vmem>>) offsets(%dma_start3A_58 : memref<72xi32, #tpu.memory_space<vmem>>) semaphore(%arg17 : memref<!tpu.dma_semaphore, #tpu.memory_space<semaphore_mem>>)
    %add3A_62 = arith.constant 3 : i32
    %add3A_63 = arith.addi %mul3A_2, %add3A_62 : i32
    %mul3A_64 = arith.constant 200 : i32
    %mul3A_65 = arith.muli %add3A_63, %mul3A_64 : i32
    "tpu.region"() ({
      %run_scoped3A = tpu.sem_alloc : memref<!tpu.dma_semaphore, #tpu.memory_space<semaphore_mem>>
      %dma_start3A_149 = tpu.memref_slice %arg2[%mul3A_65] : memref<204800xi32, #tpu.memory_space<hbm>> -> memref<200xi32, #tpu.memory_space<hbm>>
      %dma_start3A_150 = tpu.memref_slice %arg2[%mul3A_65] : memref<204800xi32, #tpu.memory_space<hbm>> -> memref<200xi32, #tpu.memory_space<hbm>>
      tpu.enqueue_dma source(%dma_start3A_150 : memref<200xi32, #tpu.memory_space<hbm>>) target(%arg9 : memref<200xi32, #tpu.memory_space<vmem>>) target_semaphore(%run_scoped3A : memref<!tpu.dma_semaphore, #tpu.memory_space<semaphore_mem>>)
      %dma_wait3A_151 = tpu.memref_slice %arg2[%mul3A_65] : memref<204800xi32, #tpu.memory_space<hbm>> -> memref<200xi32, #tpu.memory_space<hbm>>
      %dma_wait3A_152 = tpu.memref_slice %arg2[%mul3A_65] : memref<204800xi32, #tpu.memory_space<hbm>> -> memref<200xi32, #tpu.memory_space<hbm>>
      tpu.wait_dma2 semaphore(%run_scoped3A : memref<!tpu.dma_semaphore, #tpu.memory_space<semaphore_mem>>) src(%dma_wait3A_152 : memref<200xi32, #tpu.memory_space<hbm>>) dst(%arg9 : memref<200xi32, #tpu.memory_space<vmem>>)
      tpu.yield
    }) : () -> ()
    %dma_start3A_66 = arith.constant 0 : i32
    %dma_start3A_67 = arith.constant 0 : i32
    %dma_start3A_68 = tpu.memref_slice %arg13[%dma_start3A_66, %dma_start3A_67] : memref<200x64xf32, #tpu.memory_space<vmem>> -> memref<128x64xf32, #tpu.memory_space<vmem>>
    %dma_start3A_69 = arith.constant 0 : i32
    %dma_start3A_70 = tpu.memref_slice %arg9[%dma_start3A_69] : memref<200xi32, #tpu.memory_space<vmem>> -> memref<128xi32, #tpu.memory_space<vmem>>
    %dma_start3A_71 = arith.constant 0 : i32
    %dma_start3A_72 = arith.constant 0 : i32
    %dma_start3A_73 = tpu.memref_slice %arg3[%dma_start3A_71, %dma_start3A_72] : memref<2000000x64xf32, #tpu.memory_space<hbm>> -> memref<2000000x64xf32, #tpu.memory_space<hbm>>
    tpu.enqueue_indirect_dma source(%dma_start3A_73 : memref<2000000x64xf32, #tpu.memory_space<hbm>>) target(%dma_start3A_68 : memref<128x64xf32, #tpu.memory_space<vmem>>) offsets(%dma_start3A_70 : memref<128xi32, #tpu.memory_space<vmem>>) semaphore(%arg18 : memref<!tpu.dma_semaphore, #tpu.memory_space<semaphore_mem>>)
    %dma_start3A_74 = arith.constant 128 : i32
    %dma_start3A_75 = arith.constant 0 : i32
    %dma_start3A_76 = tpu.memref_slice %arg13[%dma_start3A_74, %dma_start3A_75] : memref<200x64xf32, #tpu.memory_space<vmem>> -> memref<72x64xf32, #tpu.memory_space<vmem>>
    %dma_start3A_77 = arith.constant 128 : i32
    %dma_start3A_78 = tpu.memref_slice %arg9[%dma_start3A_77] : memref<200xi32, #tpu.memory_space<vmem>> -> memref<72xi32, #tpu.memory_space<vmem>>
    %dma_start3A_79 = arith.constant 0 : i32
    %dma_start3A_80 = arith.constant 0 : i32
    %dma_start3A_81 = tpu.memref_slice %arg3[%dma_start3A_79, %dma_start3A_80] : memref<2000000x64xf32, #tpu.memory_space<hbm>> -> memref<2000000x64xf32, #tpu.memory_space<hbm>>
    tpu.enqueue_indirect_dma source(%dma_start3A_81 : memref<2000000x64xf32, #tpu.memory_space<hbm>>) target(%dma_start3A_76 : memref<72x64xf32, #tpu.memory_space<vmem>>) offsets(%dma_start3A_78 : memref<72xi32, #tpu.memory_space<vmem>>) semaphore(%arg18 : memref<!tpu.dma_semaphore, #tpu.memory_space<semaphore_mem>>)
    %scan3A = arith.constant 0 : i32
    %scan3A_82 = arith.constant 8 : i32
    %scan3A_83 = arith.addi %scan3A, %scan3A_82 : i32
    %scan3A_84 = arith.constant 1 : i32
    scf.for %scan3A_149 = %scan3A to %scan3A_83 step %scan3A_84  : i32 {
      %mul3A_150 = arith.constant 1 : i32
      %mul3A_151 = arith.muli %scan3A_149, %mul3A_150 : i32
      %add3A_152 = arith.constant 0 : i32
      %add3A_153 = arith.addi %add3A_152, %mul3A_151 : i32
      %mul3A_154 = arith.constant 4 : i32
      %mul3A_155 = arith.muli %add3A_153, %mul3A_154 : i32
      %add3A_156 = arith.constant 0 : i32
      %add3A_157 = arith.addi %mul3A_155, %add3A_156 : i32
      %dma_wait3A_158 = arith.constant 0 : i32
      %dma_wait3A_159 = arith.constant 0 : i32
      %dma_wait3A_160 = tpu.memref_slice %arg10[%dma_wait3A_158, %dma_wait3A_159] : memref<200x64xf32, #tpu.memory_space<vmem>> -> memref<128x64xf32, #tpu.memory_space<vmem>>
      %dma_wait3A_161 = arith.constant 0 : i32
      %dma_wait3A_162 = tpu.memref_slice %arg6[%dma_wait3A_161] : memref<200xi32, #tpu.memory_space<vmem>> -> memref<128xi32, #tpu.memory_space<vmem>>
      %dma_wait3A_163 = arith.constant 0 : i32
      %dma_wait3A_164 = arith.constant 0 : i32
      %dma_wait3A_165 = tpu.memref_slice %arg3[%dma_wait3A_163, %dma_wait3A_164] : memref<2000000x64xf32, #tpu.memory_space<hbm>> -> memref<2000000x64xf32, #tpu.memory_space<hbm>>
      tpu.wait_indirect_dma semaphore(%arg15 : memref<!tpu.dma_semaphore, #tpu.memory_space<semaphore_mem>>) src(%dma_wait3A_165 : memref<2000000x64xf32, #tpu.memory_space<hbm>>) dst(%dma_wait3A_160 : memref<128x64xf32, #tpu.memory_space<vmem>>)
      %dma_wait3A_166 = arith.constant 128 : i32
      %dma_wait3A_167 = arith.constant 0 : i32
      %dma_wait3A_168 = tpu.memref_slice %arg10[%dma_wait3A_166, %dma_wait3A_167] : memref<200x64xf32, #tpu.memory_space<vmem>> -> memref<72x64xf32, #tpu.memory_space<vmem>>
      %dma_wait3A_169 = arith.constant 128 : i32
      %dma_wait3A_170 = tpu.memref_slice %arg6[%dma_wait3A_169] : memref<200xi32, #tpu.memory_space<vmem>> -> memref<72xi32, #tpu.memory_space<vmem>>
      %dma_wait3A_171 = arith.constant 0 : i32
      %dma_wait3A_172 = arith.constant 0 : i32
      %dma_wait3A_173 = tpu.memref_slice %arg3[%dma_wait3A_171, %dma_wait3A_172] : memref<2000000x64xf32, #tpu.memory_space<hbm>> -> memref<2000000x64xf32, #tpu.memory_space<hbm>>
      tpu.wait_indirect_dma semaphore(%arg15 : memref<!tpu.dma_semaphore, #tpu.memory_space<semaphore_mem>>) src(%dma_wait3A_173 : memref<2000000x64xf32, #tpu.memory_space<hbm>>) dst(%dma_wait3A_168 : memref<72x64xf32, #tpu.memory_space<vmem>>)
      %scan3A_174 = arith.constant 0 : i32
      %scan3A_175 = arith.constant 200 : i32
      %scan3A_176 = arith.addi %scan3A_174, %scan3A_175 : i32
      %scan3A_177 = arith.constant 1 : i32
      scf.for %scan3A_333 = %scan3A_174 to %scan3A_176 step %scan3A_177  : i32 {
        %mul3A_334 = arith.constant 1 : i32
        %mul3A_335 = arith.muli %scan3A_333, %mul3A_334 : i32
        %add3A_336 = arith.constant 0 : i32
        %add3A_337 = arith.addi %add3A_336, %mul3A_335 : i32
        %get3A = arith.index_cast %add3A_337 : i32 to index
        %get3A_338 = arith.constant 0 : index
        %get3A_339 = tpu.vector_load %arg10[%get3A, %get3A_338] {strides = array<i32>} : memref<200x64xf32, #tpu.memory_space<vmem>>, vector<1x16xf32>,
        %get3A_340 = vector.shape_cast %get3A_339 : vector<1x16xf32> to vector<16xf32>
        %get3A_341 = arith.index_cast %add3A_337 : i32 to index
        %get3A_342 = arith.constant 0 : index
        %get3A_343 = tpu.vector_load %arg14[%get3A_341, %get3A_342] {strides = array<i32>} : memref<200x64xf32, #tpu.memory_space<vmem>>, vector<1x16xf32>,
        %get3A_344 = vector.shape_cast %get3A_343 : vector<1x16xf32> to vector<16xf32>
        %add3A_345 = arith.addf %get3A_340, %get3A_344 : vector<16xf32>
        %swap3A = arith.index_cast %add3A_337 : i32 to index
        %swap3A_346 = arith.constant 0 : index
        %swap3A_347 = tpu.vector_load %arg10[%swap3A, %swap3A_346] {strides = array<i32>} : memref<200x64xf32, #tpu.memory_space<vmem>>, vector<1x16xf32>,
        %swap3A_348 = vector.shape_cast %swap3A_347 : vector<1x16xf32> to vector<16xf32>
        %swap3A_349 = vector.shape_cast %add3A_345 : vector<16xf32> to vector<1x16xf32>
        tpu.vector_store %arg10[%swap3A, %swap3A_346], %swap3A_349 {strides = array<i32>} : memref<200x64xf32, #tpu.memory_space<vmem>>, vector<1x16xf32>,
        %get3A_350 = arith.index_cast %add3A_337 : i32 to index
        %get3A_351 = arith.constant 16 : index
        %get3A_352 = tpu.vector_load %arg10[%get3A_350, %get3A_351] {strides = array<i32>} : memref<200x64xf32, #tpu.memory_space<vmem>>, vector<1x16xf32>,
        %get3A_353 = vector.shape_cast %get3A_352 : vector<1x16xf32> to vector<16xf32>
        %get3A_354 = arith.index_cast %add3A_337 : i32 to index
        %get3A_355 = arith.constant 16 : index
        %get3A_356 = tpu.vector_load %arg14[%get3A_354, %get3A_355] {strides = array<i32>} : memref<200x64xf32, #tpu.memory_space<vmem>>, vector<1x16xf32>,
        %get3A_357 = vector.shape_cast %get3A_356 : vector<1x16xf32> to vector<16xf32>
        %add3A_358 = arith.addf %get3A_353, %get3A_357 : vector<16xf32>
        %swap3A_359 = arith.index_cast %add3A_337 : i32 to index
        %swap3A_360 = arith.constant 16 : index
        %swap3A_361 = tpu.vector_load %arg10[%swap3A_359, %swap3A_360] {strides = array<i32>} : memref<200x64xf32, #tpu.memory_space<vmem>>, vector<1x16xf32>,
        %swap3A_362 = vector.shape_cast %swap3A_361 : vector<1x16xf32> to vector<16xf32>
        %swap3A_363 = vector.shape_cast %add3A_358 : vector<16xf32> to vector<1x16xf32>
        tpu.vector_store %arg10[%swap3A_359, %swap3A_360], %swap3A_363 {strides = array<i32>} : memref<200x64xf32, #tpu.memory_space<vmem>>, vector<1x16xf32>,
        %get3A_364 = arith.index_cast %add3A_337 : i32 to index
        %get3A_365 = arith.constant 32 : index
        %get3A_366 = tpu.vector_load %arg10[%get3A_364, %get3A_365] {strides = array<i32>} : memref<200x64xf32, #tpu.memory_space<vmem>>, vector<1x16xf32>,
        %get3A_367 = vector.shape_cast %get3A_366 : vector<1x16xf32> to vector<16xf32>
        %get3A_368 = arith.index_cast %add3A_337 : i32 to index
        %get3A_369 = arith.constant 32 : index
        %get3A_370 = tpu.vector_load %arg14[%get3A_368, %get3A_369] {strides = array<i32>} : memref<200x64xf32, #tpu.memory_space<vmem>>, vector<1x16xf32>,
        %get3A_371 = vector.shape_cast %get3A_370 : vector<1x16xf32> to vector<16xf32>
        %add3A_372 = arith.addf %get3A_367, %get3A_371 : vector<16xf32>
        %swap3A_373 = arith.index_cast %add3A_337 : i32 to index
        %swap3A_374 = arith.constant 32 : index
        %swap3A_375 = tpu.vector_load %arg10[%swap3A_373, %swap3A_374] {strides = array<i32>} : memref<200x64xf32, #tpu.memory_space<vmem>>, vector<1x16xf32>,
        %swap3A_376 = vector.shape_cast %swap3A_375 : vector<1x16xf32> to vector<16xf32>
        %swap3A_377 = vector.shape_cast %add3A_372 : vector<16xf32> to vector<1x16xf32>
        tpu.vector_store %arg10[%swap3A_373, %swap3A_374], %swap3A_377 {strides = array<i32>} : memref<200x64xf32, #tpu.memory_space<vmem>>, vector<1x16xf32>,
        %get3A_378 = arith.index_cast %add3A_337 : i32 to index
        %get3A_379 = arith.constant 48 : index
        %get3A_380 = tpu.vector_load %arg10[%get3A_378, %get3A_379] {strides = array<i32>} : memref<200x64xf32, #tpu.memory_space<vmem>>, vector<1x16xf32>,
        %get3A_381 = vector.shape_cast %get3A_380 : vector<1x16xf32> to vector<16xf32>
        %get3A_382 = arith.index_cast %add3A_337 : i32 to index
        %get3A_383 = arith.constant 48 : index
        %get3A_384 = tpu.vector_load %arg14[%get3A_382, %get3A_383] {strides = array<i32>} : memref<200x64xf32, #tpu.memory_space<vmem>>, vector<1x16xf32>,
        %get3A_385 = vector.shape_cast %get3A_384 : vector<1x16xf32> to vector<16xf32>
        %add3A_386 = arith.addf %get3A_381, %get3A_385 : vector<16xf32>
        %swap3A_387 = arith.index_cast %add3A_337 : i32 to index
        %swap3A_388 = arith.constant 48 : index
        %swap3A_389 = tpu.vector_load %arg10[%swap3A_387, %swap3A_388] {strides = array<i32>} : memref<200x64xf32, #tpu.memory_space<vmem>>, vector<1x16xf32>,
        %swap3A_390 = vector.shape_cast %swap3A_389 : vector<1x16xf32> to vector<16xf32>
        %swap3A_391 = vector.shape_cast %add3A_386 : vector<16xf32> to vector<1x16xf32>
        tpu.vector_store %arg10[%swap3A_387, %swap3A_388], %swap3A_391 {strides = array<i32>} : memref<200x64xf32, #tpu.memory_space<vmem>>, vector<1x16xf32>,
      }
      %scan3A_178 = arith.constant 200 : i32
      %add3A_179 = arith.addi %mul3A_2, %add3A_157 : i32
      %dma_start3A_180 = arith.constant 0 : i32
      %dma_start3A_181 = arith.constant 0 : i32
      %dma_start3A_182 = tpu.memref_slice %arg5[%add3A_179, %dma_start3A_180, %dma_start3A_181] : memref<1024x200x128xf32, #tpu.memory_space<hbm>> -> memref<1x200x128xf32, #tpu.memory_space<hbm>>
      %dma_start3A_183 = tpu.memref_squeeze %dma_start3A_182 : memref<1x200x128xf32, #tpu.memory_space<hbm>> -> memref<200x128xf32, #tpu.memory_space<hbm>>
      %dma_start3A_184 = arith.constant 0 : i32
      %dma_start3A_185 = arith.constant 0 : i32
      %dma_start3A_186 = tpu.memref_slice %dma_start3A_183[%dma_start3A_184, %dma_start3A_185] : memref<200x128xf32, #tpu.memory_space<hbm>> -> memref<200x64xf32, #tpu.memory_space<hbm>>
      %dma_start3A_187 = arith.constant 0 : i32
      %dma_start3A_188 = arith.constant 0 : i32
      %dma_start3A_189 = tpu.memref_slice %arg5[%add3A_179, %dma_start3A_187, %dma_start3A_188] : memref<1024x200x128xf32, #tpu.memory_space<hbm>> -> memref<1x200x128xf32, #tpu.memory_space<hbm>>
      %dma_start3A_190 = tpu.memref_squeeze %dma_start3A_189 : memref<1x200x128xf32, #tpu.memory_space<hbm>> -> memref<200x128xf32, #tpu.memory_space<hbm>>
      %dma_start3A_191 = arith.constant 0 : i32
      %dma_start3A_192 = arith.constant 0 : i32
      %dma_start3A_193 = tpu.memref_slice %dma_start3A_190[%dma_start3A_191, %dma_start3A_192] : memref<200x128xf32, #tpu.memory_space<hbm>> -> memref<200x64xf32, #tpu.memory_space<hbm>>
      tpu.enqueue_dma source(%arg10 : memref<200x64xf32, #tpu.memory_space<vmem>>) target(%dma_start3A_193 : memref<200x64xf32, #tpu.memory_space<hbm>>) target_semaphore(%arg19 : memref<!tpu.dma_semaphore, #tpu.memory_space<semaphore_mem>>)
      %add3A_194 = arith.constant 4 : i32
      %add3A_195 = arith.addi %add3A_157, %add3A_194 : i32
      %lt3A = arith.constant 32 : i32
      %lt3A_196 = arith.cmpi slt, %add3A_195, %lt3A : i32
      %convert_element_type3A = arith.extui %lt3A_196 : i1 to i32
      %cond3A = arith.constant 0 : i32
      %cond3A_197 = arith.cmpi ne, %convert_element_type3A, %cond3A : i32
      scf.if %cond3A_197 {
        %add3A_333 = arith.addi %mul3A_2, %add3A_157 : i32
        %dma_wait3A_334 = arith.constant 0 : i32
        %dma_wait3A_335 = arith.constant 0 : i32
        %dma_wait3A_336 = tpu.memref_slice %arg5[%add3A_333, %dma_wait3A_334, %dma_wait3A_335] : memref<1024x200x128xf32, #tpu.memory_space<hbm>> -> memref<1x200x128xf32, #tpu.memory_space<hbm>>
        %dma_wait3A_337 = tpu.memref_squeeze %dma_wait3A_336 : memref<1x200x128xf32, #tpu.memory_space<hbm>> -> memref<200x128xf32, #tpu.memory_space<hbm>>
        %dma_wait3A_338 = arith.constant 0 : i32
        %dma_wait3A_339 = arith.constant 0 : i32
        %dma_wait3A_340 = tpu.memref_slice %dma_wait3A_337[%dma_wait3A_338, %dma_wait3A_339] : memref<200x128xf32, #tpu.memory_space<hbm>> -> memref<200x64xf32, #tpu.memory_space<hbm>>
        %dma_wait3A_341 = arith.constant 0 : i32
        %dma_wait3A_342 = arith.constant 0 : i32
        %dma_wait3A_343 = tpu.memref_slice %arg5[%add3A_333, %dma_wait3A_341, %dma_wait3A_342] : memref<1024x200x128xf32, #tpu.memory_space<hbm>> -> memref<1x200x128xf32, #tpu.memory_space<hbm>>
        %dma_wait3A_344 = tpu.memref_squeeze %dma_wait3A_343 : memref<1x200x128xf32, #tpu.memory_space<hbm>> -> memref<200x128xf32, #tpu.memory_space<hbm>>
        %dma_wait3A_345 = arith.constant 0 : i32
        %dma_wait3A_346 = arith.constant 0 : i32
        %dma_wait3A_347 = tpu.memref_slice %dma_wait3A_344[%dma_wait3A_345, %dma_wait3A_346] : memref<200x128xf32, #tpu.memory_space<hbm>> -> memref<200x64xf32, #tpu.memory_space<hbm>>
        tpu.wait_dma2 semaphore(%arg19 : memref<!tpu.dma_semaphore, #tpu.memory_space<semaphore_mem>>) src(%arg10 : memref<200x64xf32, #tpu.memory_space<vmem>>) dst(%dma_wait3A_347 : memref<200x64xf32, #tpu.memory_space<hbm>>)
        %add3A_348 = arith.constant 4 : i32
        %add3A_349 = arith.addi %add3A_157, %add3A_348 : i32
        %add3A_350 = arith.addi %mul3A_2, %add3A_349 : i32
        %mul3A_351 = arith.constant 200 : i32
        %mul3A_352 = arith.muli %add3A_350, %mul3A_351 : i32
        "tpu.region"() ({
          %run_scoped3A = tpu.sem_alloc : memref<!tpu.dma_semaphore, #tpu.memory_space<semaphore_mem>>
          %dma_start3A_369 = tpu.memref_slice %arg2[%mul3A_352] : memref<204800xi32, #tpu.memory_space<hbm>> -> memref<200xi32, #tpu.memory_space<hbm>>
          %dma_start3A_370 = tpu.memref_slice %arg2[%mul3A_352] : memref<204800xi32, #tpu.memory_space<hbm>> -> memref<200xi32, #tpu.memory_space<hbm>>
          tpu.enqueue_dma source(%dma_start3A_370 : memref<200xi32, #tpu.memory_space<hbm>>) target(%arg6 : memref<200xi32, #tpu.memory_space<vmem>>) target_semaphore(%run_scoped3A : memref<!tpu.dma_semaphore, #tpu.memory_space<semaphore_mem>>)
          %dma_wait3A_371 = tpu.memref_slice %arg2[%mul3A_352] : memref<204800xi32, #tpu.memory_space<hbm>> -> memref<200xi32, #tpu.memory_space<hbm>>
          %dma_wait3A_372 = tpu.memref_slice %arg2[%mul3A_352] : memref<204800xi32, #tpu.memory_space<hbm>> -> memref<200xi32, #tpu.memory_space<hbm>>
          tpu.wait_dma2 semaphore(%run_scoped3A : memref<!tpu.dma_semaphore, #tpu.memory_space<semaphore_mem>>) src(%dma_wait3A_372 : memref<200xi32, #tpu.memory_space<hbm>>) dst(%arg6 : memref<200xi32, #tpu.memory_space<vmem>>)
          tpu.yield
        }) : () -> ()
        %dma_start3A_353 = arith.constant 0 : i32
        %dma_start3A_354 = arith.constant 0 : i32
        %dma_start3A_355 = tpu.memref_slice %arg10[%dma_start3A_353, %dma_start3A_354] : memref<200x64xf32, #tpu.memory_space<vmem>> -> memref<128x64xf32, #tpu.memory_space<vmem>>
        %dma_start3A_356 = arith.constant 0 : i32
        %dma_start3A_357 = tpu.memref_slice %arg6[%dma_start3A_356] : memref<200xi32, #tpu.memory_space<vmem>> -> memref<128xi32, #tpu.memory_space<vmem>>
        %dma_start3A_358 = arith.constant 0 : i32
        %dma_start3A_359 = arith.constant 0 : i32
        %dma_start3A_360 = tpu.memref_slice %arg3[%dma_start3A_358, %dma_start3A_359] : memref<2000000x64xf32, #tpu.memory_space<hbm>> -> memref<2000000x64xf32, #tpu.memory_space<hbm>>
        tpu.enqueue_indirect_dma source(%dma_start3A_360 : memref<2000000x64xf32, #tpu.memory_space<hbm>>) target(%dma_start3A_355 : memref<128x64xf32, #tpu.memory_space<vmem>>) offsets(%dma_start3A_357 : memref<128xi32, #tpu.memory_space<vmem>>) semaphore(%arg15 : memref<!tpu.dma_semaphore, #tpu.memory_space<semaphore_mem>>)
        %dma_start3A_361 = arith.constant 128 : i32
        %dma_start3A_362 = arith.constant 0 : i32
        %dma_start3A_363 = tpu.memref_slice %arg10[%dma_start3A_361, %dma_start3A_362] : memref<200x64xf32, #tpu.memory_space<vmem>> -> memref<72x64xf32, #tpu.memory_space<vmem>>
        %dma_start3A_364 = arith.constant 128 : i32
        %dma_start3A_365 = tpu.memref_slice %arg6[%dma_start3A_364] : memref<200xi32, #tpu.memory_space<vmem>> -> memref<72xi32, #tpu.memory_space<vmem>>
        %dma_start3A_366 = arith.constant 0 : i32
        %dma_start3A_367 = arith.constant 0 : i32
        %dma_start3A_368 = tpu.memref_slice %arg3[%dma_start3A_366, %dma_start3A_367] : memref<2000000x64xf32, #tpu.memory_space<hbm>> -> memref<2000000x64xf32, #tpu.memory_space<hbm>>
        tpu.enqueue_indirect_dma source(%dma_start3A_368 : memref<2000000x64xf32, #tpu.memory_space<hbm>>) target(%dma_start3A_363 : memref<72x64xf32, #tpu.memory_space<vmem>>) offsets(%dma_start3A_365 : memref<72xi32, #tpu.memory_space<vmem>>) semaphore(%arg15 : memref<!tpu.dma_semaphore, #tpu.memory_space<semaphore_mem>>)
      } else {
      }
      %add3A_198 = arith.constant 1 : i32
      %add3A_199 = arith.addi %mul3A_155, %add3A_198 : i32
      %dma_wait3A_200 = arith.constant 0 : i32
      %dma_wait3A_201 = arith.constant 0 : i32
      %dma_wait3A_202 = tpu.memref_slice %arg11[%dma_wait3A_200, %dma_wait3A_201] : memref<200x64xf32, #tpu.memory_space<vmem>> -> memref<128x64xf32, #tpu.memory_space<vmem>>
      %dma_wait3A_203 = arith.constant 0 : i32
      %dma_wait3A_204 = tpu.memref_slice %arg7[%dma_wait3A_203] : memref<200xi32, #tpu.memory_space<vmem>> -> memref<128xi32, #tpu.memory_space<vmem>>
      %dma_wait3A_205 = arith.constant 0 : i32
      %dma_wait3A_206 = arith.constant 0 : i32
      %dma_wait3A_207 = tpu.memref_slice %arg3[%dma_wait3A_205, %dma_wait3A_206] : memref<2000000x64xf32, #tpu.memory_space<hbm>> -> memref<2000000x64xf32, #tpu.memory_space<hbm>>
      tpu.wait_indirect_dma semaphore(%arg16 : memref<!tpu.dma_semaphore, #tpu.memory_space<semaphore_mem>>) src(%dma_wait3A_207 : memref<2000000x64xf32, #tpu.memory_space<hbm>>) dst(%dma_wait3A_202 : memref<128x64xf32, #tpu.memory_space<vmem>>)
      %dma_wait3A_208 = arith.constant 128 : i32
      %dma_wait3A_209 = arith.constant 0 : i32
      %dma_wait3A_210 = tpu.memref_slice %arg11[%dma_wait3A_208, %dma_wait3A_209] : memref<200x64xf32, #tpu.memory_space<vmem>> -> memref<72x64xf32, #tpu.memory_space<vmem>>
      %dma_wait3A_211 = arith.constant 128 : i32
      %dma_wait3A_212 = tpu.memref_slice %arg7[%dma_wait3A_211] : memref<200xi32, #tpu.memory_space<vmem>> -> memref<72xi32, #tpu.memory_space<vmem>>
      %dma_wait3A_213 = arith.constant 0 : i32
      %dma_wait3A_214 = arith.constant 0 : i32
      %dma_wait3A_215 = tpu.memref_slice %arg3[%dma_wait3A_213, %dma_wait3A_214] : memref<2000000x64xf32, #tpu.memory_space<hbm>> -> memref<2000000x64xf32, #tpu.memory_space<hbm>>
      tpu.wait_indirect_dma semaphore(%arg16 : memref<!tpu.dma_semaphore, #tpu.memory_space<semaphore_mem>>) src(%dma_wait3A_215 : memref<2000000x64xf32, #tpu.memory_space<hbm>>) dst(%dma_wait3A_210 : memref<72x64xf32, #tpu.memory_space<vmem>>)
      %scan3A_216 = arith.constant 0 : i32
      %scan3A_217 = arith.constant 200 : i32
      %scan3A_218 = arith.addi %scan3A_216, %scan3A_217 : i32
      %scan3A_219 = arith.constant 1 : i32
      scf.for %scan3A_333 = %scan3A_216 to %scan3A_218 step %scan3A_219  : i32 {
        %mul3A_334 = arith.constant 1 : i32
        %mul3A_335 = arith.muli %scan3A_333, %mul3A_334 : i32
        %add3A_336 = arith.constant 0 : i32
        %add3A_337 = arith.addi %add3A_336, %mul3A_335 : i32
        %get3A = arith.index_cast %add3A_337 : i32 to index
        %get3A_338 = arith.constant 0 : index
        %get3A_339 = tpu.vector_load %arg11[%get3A, %get3A_338] {strides = array<i32>} : memref<200x64xf32, #tpu.memory_space<vmem>>, vector<1x16xf32>,
        %get3A_340 = vector.shape_cast %get3A_339 : vector<1x16xf32> to vector<16xf32>
        %get3A_341 = arith.index_cast %add3A_337 : i32 to index
        %get3A_342 = arith.constant 0 : index
        %get3A_343 = tpu.vector_load %arg14[%get3A_341, %get3A_342] {strides = array<i32>} : memref<200x64xf32, #tpu.memory_space<vmem>>, vector<1x16xf32>,
        %get3A_344 = vector.shape_cast %get3A_343 : vector<1x16xf32> to vector<16xf32>
        %add3A_345 = arith.addf %get3A_340, %get3A_344 : vector<16xf32>
        %swap3A = arith.index_cast %add3A_337 : i32 to index
        %swap3A_346 = arith.constant 0 : index
        %swap3A_347 = tpu.vector_load %arg11[%swap3A, %swap3A_346] {strides = array<i32>} : memref<200x64xf32, #tpu.memory_space<vmem>>, vector<1x16xf32>,
        %swap3A_348 = vector.shape_cast %swap3A_347 : vector<1x16xf32> to vector<16xf32>
        %swap3A_349 = vector.shape_cast %add3A_345 : vector<16xf32> to vector<1x16xf32>
        tpu.vector_store %arg11[%swap3A, %swap3A_346], %swap3A_349 {strides = array<i32>} : memref<200x64xf32, #tpu.memory_space<vmem>>, vector<1x16xf32>,
        %get3A_350 = arith.index_cast %add3A_337 : i32 to index
        %get3A_351 = arith.constant 16 : index
        %get3A_352 = tpu.vector_load %arg11[%get3A_350, %get3A_351] {strides = array<i32>} : memref<200x64xf32, #tpu.memory_space<vmem>>, vector<1x16xf32>,
        %get3A_353 = vector.shape_cast %get3A_352 : vector<1x16xf32> to vector<16xf32>
        %get3A_354 = arith.index_cast %add3A_337 : i32 to index
        %get3A_355 = arith.constant 16 : index
        %get3A_356 = tpu.vector_load %arg14[%get3A_354, %get3A_355] {strides = array<i32>} : memref<200x64xf32, #tpu.memory_space<vmem>>, vector<1x16xf32>,
        %get3A_357 = vector.shape_cast %get3A_356 : vector<1x16xf32> to vector<16xf32>
        %add3A_358 = arith.addf %get3A_353, %get3A_357 : vector<16xf32>
        %swap3A_359 = arith.index_cast %add3A_337 : i32 to index
        %swap3A_360 = arith.constant 16 : index
        %swap3A_361 = tpu.vector_load %arg11[%swap3A_359, %swap3A_360] {strides = array<i32>} : memref<200x64xf32, #tpu.memory_space<vmem>>, vector<1x16xf32>,
        %swap3A_362 = vector.shape_cast %swap3A_361 : vector<1x16xf32> to vector<16xf32>
        %swap3A_363 = vector.shape_cast %add3A_358 : vector<16xf32> to vector<1x16xf32>
        tpu.vector_store %arg11[%swap3A_359, %swap3A_360], %swap3A_363 {strides = array<i32>} : memref<200x64xf32, #tpu.memory_space<vmem>>, vector<1x16xf32>,
        %get3A_364 = arith.index_cast %add3A_337 : i32 to index
        %get3A_365 = arith.constant 32 : index
        %get3A_366 = tpu.vector_load %arg11[%get3A_364, %get3A_365] {strides = array<i32>} : memref<200x64xf32, #tpu.memory_space<vmem>>, vector<1x16xf32>,
        %get3A_367 = vector.shape_cast %get3A_366 : vector<1x16xf32> to vector<16xf32>
        %get3A_368 = arith.index_cast %add3A_337 : i32 to index
        %get3A_369 = arith.constant 32 : index
        %get3A_370 = tpu.vector_load %arg14[%get3A_368, %get3A_369] {strides = array<i32>} : memref<200x64xf32, #tpu.memory_space<vmem>>, vector<1x16xf32>,
        %get3A_371 = vector.shape_cast %get3A_370 : vector<1x16xf32> to vector<16xf32>
        %add3A_372 = arith.addf %get3A_367, %get3A_371 : vector<16xf32>
        %swap3A_373 = arith.index_cast %add3A_337 : i32 to index
        %swap3A_374 = arith.constant 32 : index
        %swap3A_375 = tpu.vector_load %arg11[%swap3A_373, %swap3A_374] {strides = array<i32>} : memref<200x64xf32, #tpu.memory_space<vmem>>, vector<1x16xf32>,
        %swap3A_376 = vector.shape_cast %swap3A_375 : vector<1x16xf32> to vector<16xf32>
        %swap3A_377 = vector.shape_cast %add3A_372 : vector<16xf32> to vector<1x16xf32>
        tpu.vector_store %arg11[%swap3A_373, %swap3A_374], %swap3A_377 {strides = array<i32>} : memref<200x64xf32, #tpu.memory_space<vmem>>, vector<1x16xf32>,
        %get3A_378 = arith.index_cast %add3A_337 : i32 to index
        %get3A_379 = arith.constant 48 : index
        %get3A_380 = tpu.vector_load %arg11[%get3A_378, %get3A_379] {strides = array<i32>} : memref<200x64xf32, #tpu.memory_space<vmem>>, vector<1x16xf32>,
        %get3A_381 = vector.shape_cast %get3A_380 : vector<1x16xf32> to vector<16xf32>
        %get3A_382 = arith.index_cast %add3A_337 : i32 to index
        %get3A_383 = arith.constant 48 : index
        %get3A_384 = tpu.vector_load %arg14[%get3A_382, %get3A_383] {strides = array<i32>} : memref<200x64xf32, #tpu.memory_space<vmem>>, vector<1x16xf32>,
        %get3A_385 = vector.shape_cast %get3A_384 : vector<1x16xf32> to vector<16xf32>
        %add3A_386 = arith.addf %get3A_381, %get3A_385 : vector<16xf32>
        %swap3A_387 = arith.index_cast %add3A_337 : i32 to index
        %swap3A_388 = arith.constant 48 : index
        %swap3A_389 = tpu.vector_load %arg11[%swap3A_387, %swap3A_388] {strides = array<i32>} : memref<200x64xf32, #tpu.memory_space<vmem>>, vector<1x16xf32>,
        %swap3A_390 = vector.shape_cast %swap3A_389 : vector<1x16xf32> to vector<16xf32>
        %swap3A_391 = vector.shape_cast %add3A_386 : vector<16xf32> to vector<1x16xf32>
        tpu.vector_store %arg11[%swap3A_387, %swap3A_388], %swap3A_391 {strides = array<i32>} : memref<200x64xf32, #tpu.memory_space<vmem>>, vector<1x16xf32>,
      }
      %scan3A_220 = arith.constant 200 : i32
      %add3A_221 = arith.addi %mul3A_2, %add3A_199 : i32
      %dma_start3A_222 = arith.constant 0 : i32
      %dma_start3A_223 = arith.constant 0 : i32
      %dma_start3A_224 = tpu.memref_slice %arg5[%add3A_221, %dma_start3A_222, %dma_start3A_223] : memref<1024x200x128xf32, #tpu.memory_space<hbm>> -> memref<1x200x128xf32, #tpu.memory_space<hbm>>
      %dma_start3A_225 = tpu.memref_squeeze %dma_start3A_224 : memref<1x200x128xf32, #tpu.memory_space<hbm>> -> memref<200x128xf32, #tpu.memory_space<hbm>>
      %dma_start3A_226 = arith.constant 0 : i32
      %dma_start3A_227 = arith.constant 0 : i32
      %dma_start3A_228 = tpu.memref_slice %dma_start3A_225[%dma_start3A_226, %dma_start3A_227] : memref<200x128xf32, #tpu.memory_space<hbm>> -> memref<200x64xf32, #tpu.memory_space<hbm>>
      %dma_start3A_229 = arith.constant 0 : i32
      %dma_start3A_230 = arith.constant 0 : i32
      %dma_start3A_231 = tpu.memref_slice %arg5[%add3A_221, %dma_start3A_229, %dma_start3A_230] : memref<1024x200x128xf32, #tpu.memory_space<hbm>> -> memref<1x200x128xf32, #tpu.memory_space<hbm>>
      %dma_start3A_232 = tpu.memref_squeeze %dma_start3A_231 : memref<1x200x128xf32, #tpu.memory_space<hbm>> -> memref<200x128xf32, #tpu.memory_space<hbm>>
      %dma_start3A_233 = arith.constant 0 : i32
      %dma_start3A_234 = arith.constant 0 : i32
      %dma_start3A_235 = tpu.memref_slice %dma_start3A_232[%dma_start3A_233, %dma_start3A_234] : memref<200x128xf32, #tpu.memory_space<hbm>> -> memref<200x64xf32, #tpu.memory_space<hbm>>
      tpu.enqueue_dma source(%arg11 : memref<200x64xf32, #tpu.memory_space<vmem>>) target(%dma_start3A_235 : memref<200x64xf32, #tpu.memory_space<hbm>>) target_semaphore(%arg20 : memref<!tpu.dma_semaphore, #tpu.memory_space<semaphore_mem>>)
      %add3A_236 = arith.constant 4 : i32
      %add3A_237 = arith.addi %add3A_199, %add3A_236 : i32
      %lt3A_238 = arith.constant 32 : i32
      %lt3A_239 = arith.cmpi slt, %add3A_237, %lt3A_238 : i32
      %convert_element_type3A_240 = arith.extui %lt3A_239 : i1 to i32
      %cond3A_241 = arith.constant 0 : i32
      %cond3A_242 = arith.cmpi ne, %convert_element_type3A_240, %cond3A_241 : i32
      scf.if %cond3A_242 {
        %add3A_333 = arith.addi %mul3A_2, %add3A_199 : i32
        %dma_wait3A_334 = arith.constant 0 : i32
        %dma_wait3A_335 = arith.constant 0 : i32
        %dma_wait3A_336 = tpu.memref_slice %arg5[%add3A_333, %dma_wait3A_334, %dma_wait3A_335] : memref<1024x200x128xf32, #tpu.memory_space<hbm>> -> memref<1x200x128xf32, #tpu.memory_space<hbm>>
        %dma_wait3A_337 = tpu.memref_squeeze %dma_wait3A_336 : memref<1x200x128xf32, #tpu.memory_space<hbm>> -> memref<200x128xf32, #tpu.memory_space<hbm>>
        %dma_wait3A_338 = arith.constant 0 : i32
        %dma_wait3A_339 = arith.constant 0 : i32
        %dma_wait3A_340 = tpu.memref_slice %dma_wait3A_337[%dma_wait3A_338, %dma_wait3A_339] : memref<200x128xf32, #tpu.memory_space<hbm>> -> memref<200x64xf32, #tpu.memory_space<hbm>>
        %dma_wait3A_341 = arith.constant 0 : i32
        %dma_wait3A_342 = arith.constant 0 : i32
        %dma_wait3A_343 = tpu.memref_slice %arg5[%add3A_333, %dma_wait3A_341, %dma_wait3A_342] : memref<1024x200x128xf32, #tpu.memory_space<hbm>> -> memref<1x200x128xf32, #tpu.memory_space<hbm>>
        %dma_wait3A_344 = tpu.memref_squeeze %dma_wait3A_343 : memref<1x200x128xf32, #tpu.memory_space<hbm>> -> memref<200x128xf32, #tpu.memory_space<hbm>>
        %dma_wait3A_345 = arith.constant 0 : i32
        %dma_wait3A_346 = arith.constant 0 : i32
        %dma_wait3A_347 = tpu.memref_slice %dma_wait3A_344[%dma_wait3A_345, %dma_wait3A_346] : memref<200x128xf32, #tpu.memory_space<hbm>> -> memref<200x64xf32, #tpu.memory_space<hbm>>
        tpu.wait_dma2 semaphore(%arg20 : memref<!tpu.dma_semaphore, #tpu.memory_space<semaphore_mem>>) src(%arg11 : memref<200x64xf32, #tpu.memory_space<vmem>>) dst(%dma_wait3A_347 : memref<200x64xf32, #tpu.memory_space<hbm>>)
        %add3A_348 = arith.constant 4 : i32
        %add3A_349 = arith.addi %add3A_199, %add3A_348 : i32
        %add3A_350 = arith.addi %mul3A_2, %add3A_349 : i32
        %mul3A_351 = arith.constant 200 : i32
        %mul3A_352 = arith.muli %add3A_350, %mul3A_351 : i32
        "tpu.region"() ({
          %run_scoped3A = tpu.sem_alloc : memref<!tpu.dma_semaphore, #tpu.memory_space<semaphore_mem>>
          %dma_start3A_369 = tpu.memref_slice %arg2[%mul3A_352] : memref<204800xi32, #tpu.memory_space<hbm>> -> memref<200xi32, #tpu.memory_space<hbm>>
          %dma_start3A_370 = tpu.memref_slice %arg2[%mul3A_352] : memref<204800xi32, #tpu.memory_space<hbm>> -> memref<200xi32, #tpu.memory_space<hbm>>
          tpu.enqueue_dma source(%dma_start3A_370 : memref<200xi32, #tpu.memory_space<hbm>>) target(%arg7 : memref<200xi32, #tpu.memory_space<vmem>>) target_semaphore(%run_scoped3A : memref<!tpu.dma_semaphore, #tpu.memory_space<semaphore_mem>>)
          %dma_wait3A_371 = tpu.memref_slice %arg2[%mul3A_352] : memref<204800xi32, #tpu.memory_space<hbm>> -> memref<200xi32, #tpu.memory_space<hbm>>
          %dma_wait3A_372 = tpu.memref_slice %arg2[%mul3A_352] : memref<204800xi32, #tpu.memory_space<hbm>> -> memref<200xi32, #tpu.memory_space<hbm>>
          tpu.wait_dma2 semaphore(%run_scoped3A : memref<!tpu.dma_semaphore, #tpu.memory_space<semaphore_mem>>) src(%dma_wait3A_372 : memref<200xi32, #tpu.memory_space<hbm>>) dst(%arg7 : memref<200xi32, #tpu.memory_space<vmem>>)
          tpu.yield
        }) : () -> ()
        %dma_start3A_353 = arith.constant 0 : i32
        %dma_start3A_354 = arith.constant 0 : i32
        %dma_start3A_355 = tpu.memref_slice %arg11[%dma_start3A_353, %dma_start3A_354] : memref<200x64xf32, #tpu.memory_space<vmem>> -> memref<128x64xf32, #tpu.memory_space<vmem>>
        %dma_start3A_356 = arith.constant 0 : i32
        %dma_start3A_357 = tpu.memref_slice %arg7[%dma_start3A_356] : memref<200xi32, #tpu.memory_space<vmem>> -> memref<128xi32, #tpu.memory_space<vmem>>
        %dma_start3A_358 = arith.constant 0 : i32
        %dma_start3A_359 = arith.constant 0 : i32
        %dma_start3A_360 = tpu.memref_slice %arg3[%dma_start3A_358, %dma_start3A_359] : memref<2000000x64xf32, #tpu.memory_space<hbm>> -> memref<2000000x64xf32, #tpu.memory_space<hbm>>
        tpu.enqueue_indirect_dma source(%dma_start3A_360 : memref<2000000x64xf32, #tpu.memory_space<hbm>>) target(%dma_start3A_355 : memref<128x64xf32, #tpu.memory_space<vmem>>) offsets(%dma_start3A_357 : memref<128xi32, #tpu.memory_space<vmem>>) semaphore(%arg16 : memref<!tpu.dma_semaphore, #tpu.memory_space<semaphore_mem>>)
        %dma_start3A_361 = arith.constant 128 : i32
        %dma_start3A_362 = arith.constant 0 : i32
        %dma_start3A_363 = tpu.memref_slice %arg11[%dma_start3A_361, %dma_start3A_362] : memref<200x64xf32, #tpu.memory_space<vmem>> -> memref<72x64xf32, #tpu.memory_space<vmem>>
        %dma_start3A_364 = arith.constant 128 : i32
        %dma_start3A_365 = tpu.memref_slice %arg7[%dma_start3A_364] : memref<200xi32, #tpu.memory_space<vmem>> -> memref<72xi32, #tpu.memory_space<vmem>>
        %dma_start3A_366 = arith.constant 0 : i32
        %dma_start3A_367 = arith.constant 0 : i32
        %dma_start3A_368 = tpu.memref_slice %arg3[%dma_start3A_366, %dma_start3A_367] : memref<2000000x64xf32, #tpu.memory_space<hbm>> -> memref<2000000x64xf32, #tpu.memory_space<hbm>>
        tpu.enqueue_indirect_dma source(%dma_start3A_368 : memref<2000000x64xf32, #tpu.memory_space<hbm>>) target(%dma_start3A_363 : memref<72x64xf32, #tpu.memory_space<vmem>>) offsets(%dma_start3A_365 : memref<72xi32, #tpu.memory_space<vmem>>) semaphore(%arg16 : memref<!tpu.dma_semaphore, #tpu.memory_space<semaphore_mem>>)
      } else {
      }
      %add3A_243 = arith.constant 2 : i32
      %add3A_244 = arith.addi %mul3A_155, %add3A_243 : i32
      %dma_wait3A_245 = arith.constant 0 : i32
      %dma_wait3A_246 = arith.constant 0 : i32
      %dma_wait3A_247 = tpu.memref_slice %arg12[%dma_wait3A_245, %dma_wait3A_246] : memref<200x64xf32, #tpu.memory_space<vmem>> -> memref<128x64xf32, #tpu.memory_space<vmem>>
      %dma_wait3A_248 = arith.constant 0 : i32
      %dma_wait3A_249 = tpu.memref_slice %arg8[%dma_wait3A_248] : memref<200xi32, #tpu.memory_space<vmem>> -> memref<128xi32, #tpu.memory_space<vmem>>
      %dma_wait3A_250 = arith.constant 0 : i32
      %dma_wait3A_251 = arith.constant 0 : i32
      %dma_wait3A_252 = tpu.memref_slice %arg3[%dma_wait3A_250, %dma_wait3A_251] : memref<2000000x64xf32, #tpu.memory_space<hbm>> -> memref<2000000x64xf32, #tpu.memory_space<hbm>>
      tpu.wait_indirect_dma semaphore(%arg17 : memref<!tpu.dma_semaphore, #tpu.memory_space<semaphore_mem>>) src(%dma_wait3A_252 : memref<2000000x64xf32, #tpu.memory_space<hbm>>) dst(%dma_wait3A_247 : memref<128x64xf32, #tpu.memory_space<vmem>>)
      %dma_wait3A_253 = arith.constant 128 : i32
      %dma_wait3A_254 = arith.constant 0 : i32
      %dma_wait3A_255 = tpu.memref_slice %arg12[%dma_wait3A_253, %dma_wait3A_254] : memref<200x64xf32, #tpu.memory_space<vmem>> -> memref<72x64xf32, #tpu.memory_space<vmem>>
      %dma_wait3A_256 = arith.constant 128 : i32
      %dma_wait3A_257 = tpu.memref_slice %arg8[%dma_wait3A_256] : memref<200xi32, #tpu.memory_space<vmem>> -> memref<72xi32, #tpu.memory_space<vmem>>
      %dma_wait3A_258 = arith.constant 0 : i32
      %dma_wait3A_259 = arith.constant 0 : i32
      %dma_wait3A_260 = tpu.memref_slice %arg3[%dma_wait3A_258, %dma_wait3A_259] : memref<2000000x64xf32, #tpu.memory_space<hbm>> -> memref<2000000x64xf32, #tpu.memory_space<hbm>>
      tpu.wait_indirect_dma semaphore(%arg17 : memref<!tpu.dma_semaphore, #tpu.memory_space<semaphore_mem>>) src(%dma_wait3A_260 : memref<2000000x64xf32, #tpu.memory_space<hbm>>) dst(%dma_wait3A_255 : memref<72x64xf32, #tpu.memory_space<vmem>>)
      %scan3A_261 = arith.constant 0 : i32
      %scan3A_262 = arith.constant 200 : i32
      %scan3A_263 = arith.addi %scan3A_261, %scan3A_262 : i32
      %scan3A_264 = arith.constant 1 : i32
      scf.for %scan3A_333 = %scan3A_261 to %scan3A_263 step %scan3A_264  : i32 {
        %mul3A_334 = arith.constant 1 : i32
        %mul3A_335 = arith.muli %scan3A_333, %mul3A_334 : i32
        %add3A_336 = arith.constant 0 : i32
        %add3A_337 = arith.addi %add3A_336, %mul3A_335 : i32
        %get3A = arith.index_cast %add3A_337 : i32 to index
        %get3A_338 = arith.constant 0 : index
        %get3A_339 = tpu.vector_load %arg12[%get3A, %get3A_338] {strides = array<i32>} : memref<200x64xf32, #tpu.memory_space<vmem>>, vector<1x16xf32>,
        %get3A_340 = vector.shape_cast %get3A_339 : vector<1x16xf32> to vector<16xf32>
        %get3A_341 = arith.index_cast %add3A_337 : i32 to index
        %get3A_342 = arith.constant 0 : index
        %get3A_343 = tpu.vector_load %arg14[%get3A_341, %get3A_342] {strides = array<i32>} : memref<200x64xf32, #tpu.memory_space<vmem>>, vector<1x16xf32>,
        %get3A_344 = vector.shape_cast %get3A_343 : vector<1x16xf32> to vector<16xf32>
        %add3A_345 = arith.addf %get3A_340, %get3A_344 : vector<16xf32>
        %swap3A = arith.index_cast %add3A_337 : i32 to index
        %swap3A_346 = arith.constant 0 : index
        %swap3A_347 = tpu.vector_load %arg12[%swap3A, %swap3A_346] {strides = array<i32>} : memref<200x64xf32, #tpu.memory_space<vmem>>, vector<1x16xf32>,
        %swap3A_348 = vector.shape_cast %swap3A_347 : vector<1x16xf32> to vector<16xf32>
        %swap3A_349 = vector.shape_cast %add3A_345 : vector<16xf32> to vector<1x16xf32>
        tpu.vector_store %arg12[%swap3A, %swap3A_346], %swap3A_349 {strides = array<i32>} : memref<200x64xf32, #tpu.memory_space<vmem>>, vector<1x16xf32>,
        %get3A_350 = arith.index_cast %add3A_337 : i32 to index
        %get3A_351 = arith.constant 16 : index
        %get3A_352 = tpu.vector_load %arg12[%get3A_350, %get3A_351] {strides = array<i32>} : memref<200x64xf32, #tpu.memory_space<vmem>>, vector<1x16xf32>,
        %get3A_353 = vector.shape_cast %get3A_352 : vector<1x16xf32> to vector<16xf32>
        %get3A_354 = arith.index_cast %add3A_337 : i32 to index
        %get3A_355 = arith.constant 16 : index
        %get3A_356 = tpu.vector_load %arg14[%get3A_354, %get3A_355] {strides = array<i32>} : memref<200x64xf32, #tpu.memory_space<vmem>>, vector<1x16xf32>,
        %get3A_357 = vector.shape_cast %get3A_356 : vector<1x16xf32> to vector<16xf32>
        %add3A_358 = arith.addf %get3A_353, %get3A_357 : vector<16xf32>
        %swap3A_359 = arith.index_cast %add3A_337 : i32 to index
        %swap3A_360 = arith.constant 16 : index
        %swap3A_361 = tpu.vector_load %arg12[%swap3A_359, %swap3A_360] {strides = array<i32>} : memref<200x64xf32, #tpu.memory_space<vmem>>, vector<1x16xf32>,
        %swap3A_362 = vector.shape_cast %swap3A_361 : vector<1x16xf32> to vector<16xf32>
        %swap3A_363 = vector.shape_cast %add3A_358 : vector<16xf32> to vector<1x16xf32>
        tpu.vector_store %arg12[%swap3A_359, %swap3A_360], %swap3A_363 {strides = array<i32>} : memref<200x64xf32, #tpu.memory_space<vmem>>, vector<1x16xf32>,
        %get3A_364 = arith.index_cast %add3A_337 : i32 to index
        %get3A_365 = arith.constant 32 : index
        %get3A_366 = tpu.vector_load %arg12[%get3A_364, %get3A_365] {strides = array<i32>} : memref<200x64xf32, #tpu.memory_space<vmem>>, vector<1x16xf32>,
        %get3A_367 = vector.shape_cast %get3A_366 : vector<1x16xf32> to vector<16xf32>
        %get3A_368 = arith.index_cast %add3A_337 : i32 to index
        %get3A_369 = arith.constant 32 : index
        %get3A_370 = tpu.vector_load %arg14[%get3A_368, %get3A_369] {strides = array<i32>} : memref<200x64xf32, #tpu.memory_space<vmem>>, vector<1x16xf32>,
        %get3A_371 = vector.shape_cast %get3A_370 : vector<1x16xf32> to vector<16xf32>
        %add3A_372 = arith.addf %get3A_367, %get3A_371 : vector<16xf32>
        %swap3A_373 = arith.index_cast %add3A_337 : i32 to index
        %swap3A_374 = arith.constant 32 : index
        %swap3A_375 = tpu.vector_load %arg12[%swap3A_373, %swap3A_374] {strides = array<i32>} : memref<200x64xf32, #tpu.memory_space<vmem>>, vector<1x16xf32>,
        %swap3A_376 = vector.shape_cast %swap3A_375 : vector<1x16xf32> to vector<16xf32>
        %swap3A_377 = vector.shape_cast %add3A_372 : vector<16xf32> to vector<1x16xf32>
        tpu.vector_store %arg12[%swap3A_373, %swap3A_374], %swap3A_377 {strides = array<i32>} : memref<200x64xf32, #tpu.memory_space<vmem>>, vector<1x16xf32>,
        %get3A_378 = arith.index_cast %add3A_337 : i32 to index
        %get3A_379 = arith.constant 48 : index
        %get3A_380 = tpu.vector_load %arg12[%get3A_378, %get3A_379] {strides = array<i32>} : memref<200x64xf32, #tpu.memory_space<vmem>>, vector<1x16xf32>,
        %get3A_381 = vector.shape_cast %get3A_380 : vector<1x16xf32> to vector<16xf32>
        %get3A_382 = arith.index_cast %add3A_337 : i32 to index
        %get3A_383 = arith.constant 48 : index
        %get3A_384 = tpu.vector_load %arg14[%get3A_382, %get3A_383] {strides = array<i32>} : memref<200x64xf32, #tpu.memory_space<vmem>>, vector<1x16xf32>,
        %get3A_385 = vector.shape_cast %get3A_384 : vector<1x16xf32> to vector<16xf32>
        %add3A_386 = arith.addf %get3A_381, %get3A_385 : vector<16xf32>
        %swap3A_387 = arith.index_cast %add3A_337 : i32 to index
        %swap3A_388 = arith.constant 48 : index
        %swap3A_389 = tpu.vector_load %arg12[%swap3A_387, %swap3A_388] {strides = array<i32>} : memref<200x64xf32, #tpu.memory_space<vmem>>, vector<1x16xf32>,
        %swap3A_390 = vector.shape_cast %swap3A_389 : vector<1x16xf32> to vector<16xf32>
        %swap3A_391 = vector.shape_cast %add3A_386 : vector<16xf32> to vector<1x16xf32>
        tpu.vector_store %arg12[%swap3A_387, %swap3A_388], %swap3A_391 {strides = array<i32>} : memref<200x64xf32, #tpu.memory_space<vmem>>, vector<1x16xf32>,
      }
      %scan3A_265 = arith.constant 200 : i32
      %add3A_266 = arith.addi %mul3A_2, %add3A_244 : i32
      %dma_start3A_267 = arith.constant 0 : i32
      %dma_start3A_268 = arith.constant 0 : i32
      %dma_start3A_269 = tpu.memref_slice %arg5[%add3A_266, %dma_start3A_267, %dma_start3A_268] : memref<1024x200x128xf32, #tpu.memory_space<hbm>> -> memref<1x200x128xf32, #tpu.memory_space<hbm>>
      %dma_start3A_270 = tpu.memref_squeeze %dma_start3A_269 : memref<1x200x128xf32, #tpu.memory_space<hbm>> -> memref<200x128xf32, #tpu.memory_space<hbm>>
      %dma_start3A_271 = arith.constant 0 : i32
      %dma_start3A_272 = arith.constant 0 : i32
      %dma_start3A_273 = tpu.memref_slice %dma_start3A_270[%dma_start3A_271, %dma_start3A_272] : memref<200x128xf32, #tpu.memory_space<hbm>> -> memref<200x64xf32, #tpu.memory_space<hbm>>
      %dma_start3A_274 = arith.constant 0 : i32
      %dma_start3A_275 = arith.constant 0 : i32
      %dma_start3A_276 = tpu.memref_slice %arg5[%add3A_266, %dma_start3A_274, %dma_start3A_275] : memref<1024x200x128xf32, #tpu.memory_space<hbm>> -> memref<1x200x128xf32, #tpu.memory_space<hbm>>
      %dma_start3A_277 = tpu.memref_squeeze %dma_start3A_276 : memref<1x200x128xf32, #tpu.memory_space<hbm>> -> memref<200x128xf32, #tpu.memory_space<hbm>>
      %dma_start3A_278 = arith.constant 0 : i32
      %dma_start3A_279 = arith.constant 0 : i32
      %dma_start3A_280 = tpu.memref_slice %dma_start3A_277[%dma_start3A_278, %dma_start3A_279] : memref<200x128xf32, #tpu.memory_space<hbm>> -> memref<200x64xf32, #tpu.memory_space<hbm>>
      tpu.enqueue_dma source(%arg12 : memref<200x64xf32, #tpu.memory_space<vmem>>) target(%dma_start3A_280 : memref<200x64xf32, #tpu.memory_space<hbm>>) target_semaphore(%arg21 : memref<!tpu.dma_semaphore, #tpu.memory_space<semaphore_mem>>)
      %add3A_281 = arith.constant 4 : i32
      %add3A_282 = arith.addi %add3A_244, %add3A_281 : i32
      %lt3A_283 = arith.constant 32 : i32
      %lt3A_284 = arith.cmpi slt, %add3A_282, %lt3A_283 : i32
      %convert_element_type3A_285 = arith.extui %lt3A_284 : i1 to i32
      %cond3A_286 = arith.constant 0 : i32
      %cond3A_287 = arith.cmpi ne, %convert_element_type3A_285, %cond3A_286 : i32
      scf.if %cond3A_287 {
        %add3A_333 = arith.addi %mul3A_2, %add3A_244 : i32
        %dma_wait3A_334 = arith.constant 0 : i32
        %dma_wait3A_335 = arith.constant 0 : i32
        %dma_wait3A_336 = tpu.memref_slice %arg5[%add3A_333, %dma_wait3A_334, %dma_wait3A_335] : memref<1024x200x128xf32, #tpu.memory_space<hbm>> -> memref<1x200x128xf32, #tpu.memory_space<hbm>>
        %dma_wait3A_337 = tpu.memref_squeeze %dma_wait3A_336 : memref<1x200x128xf32, #tpu.memory_space<hbm>> -> memref<200x128xf32, #tpu.memory_space<hbm>>
        %dma_wait3A_338 = arith.constant 0 : i32
        %dma_wait3A_339 = arith.constant 0 : i32
        %dma_wait3A_340 = tpu.memref_slice %dma_wait3A_337[%dma_wait3A_338, %dma_wait3A_339] : memref<200x128xf32, #tpu.memory_space<hbm>> -> memref<200x64xf32, #tpu.memory_space<hbm>>
        %dma_wait3A_341 = arith.constant 0 : i32
        %dma_wait3A_342 = arith.constant 0 : i32
        %dma_wait3A_343 = tpu.memref_slice %arg5[%add3A_333, %dma_wait3A_341, %dma_wait3A_342] : memref<1024x200x128xf32, #tpu.memory_space<hbm>> -> memref<1x200x128xf32, #tpu.memory_space<hbm>>
        %dma_wait3A_344 = tpu.memref_squeeze %dma_wait3A_343 : memref<1x200x128xf32, #tpu.memory_space<hbm>> -> memref<200x128xf32, #tpu.memory_space<hbm>>
        %dma_wait3A_345 = arith.constant 0 : i32
        %dma_wait3A_346 = arith.constant 0 : i32
        %dma_wait3A_347 = tpu.memref_slice %dma_wait3A_344[%dma_wait3A_345, %dma_wait3A_346] : memref<200x128xf32, #tpu.memory_space<hbm>> -> memref<200x64xf32, #tpu.memory_space<hbm>>
        tpu.wait_dma2 semaphore(%arg21 : memref<!tpu.dma_semaphore, #tpu.memory_space<semaphore_mem>>) src(%arg12 : memref<200x64xf32, #tpu.memory_space<vmem>>) dst(%dma_wait3A_347 : memref<200x64xf32, #tpu.memory_space<hbm>>)
        %add3A_348 = arith.constant 4 : i32
        %add3A_349 = arith.addi %add3A_244, %add3A_348 : i32
        %add3A_350 = arith.addi %mul3A_2, %add3A_349 : i32
        %mul3A_351 = arith.constant 200 : i32
        %mul3A_352 = arith.muli %add3A_350, %mul3A_351 : i32
        "tpu.region"() ({
          %run_scoped3A = tpu.sem_alloc : memref<!tpu.dma_semaphore, #tpu.memory_space<semaphore_mem>>
          %dma_start3A_369 = tpu.memref_slice %arg2[%mul3A_352] : memref<204800xi32, #tpu.memory_space<hbm>> -> memref<200xi32, #tpu.memory_space<hbm>>
          %dma_start3A_370 = tpu.memref_slice %arg2[%mul3A_352] : memref<204800xi32, #tpu.memory_space<hbm>> -> memref<200xi32, #tpu.memory_space<hbm>>
          tpu.enqueue_dma source(%dma_start3A_370 : memref<200xi32, #tpu.memory_space<hbm>>) target(%arg8 : memref<200xi32, #tpu.memory_space<vmem>>) target_semaphore(%run_scoped3A : memref<!tpu.dma_semaphore, #tpu.memory_space<semaphore_mem>>)
          %dma_wait3A_371 = tpu.memref_slice %arg2[%mul3A_352] : memref<204800xi32, #tpu.memory_space<hbm>> -> memref<200xi32, #tpu.memory_space<hbm>>
          %dma_wait3A_372 = tpu.memref_slice %arg2[%mul3A_352] : memref<204800xi32, #tpu.memory_space<hbm>> -> memref<200xi32, #tpu.memory_space<hbm>>
          tpu.wait_dma2 semaphore(%run_scoped3A : memref<!tpu.dma_semaphore, #tpu.memory_space<semaphore_mem>>) src(%dma_wait3A_372 : memref<200xi32, #tpu.memory_space<hbm>>) dst(%arg8 : memref<200xi32, #tpu.memory_space<vmem>>)
          tpu.yield
        }) : () -> ()
        %dma_start3A_353 = arith.constant 0 : i32
        %dma_start3A_354 = arith.constant 0 : i32
        %dma_start3A_355 = tpu.memref_slice %arg12[%dma_start3A_353, %dma_start3A_354] : memref<200x64xf32, #tpu.memory_space<vmem>> -> memref<128x64xf32, #tpu.memory_space<vmem>>
        %dma_start3A_356 = arith.constant 0 : i32
        %dma_start3A_357 = tpu.memref_slice %arg8[%dma_start3A_356] : memref<200xi32, #tpu.memory_space<vmem>> -> memref<128xi32, #tpu.memory_space<vmem>>
        %dma_start3A_358 = arith.constant 0 : i32
        %dma_start3A_359 = arith.constant 0 : i32
        %dma_start3A_360 = tpu.memref_slice %arg3[%dma_start3A_358, %dma_start3A_359] : memref<2000000x64xf32, #tpu.memory_space<hbm>> -> memref<2000000x64xf32, #tpu.memory_space<hbm>>
        tpu.enqueue_indirect_dma source(%dma_start3A_360 : memref<2000000x64xf32, #tpu.memory_space<hbm>>) target(%dma_start3A_355 : memref<128x64xf32, #tpu.memory_space<vmem>>) offsets(%dma_start3A_357 : memref<128xi32, #tpu.memory_space<vmem>>) semaphore(%arg17 : memref<!tpu.dma_semaphore, #tpu.memory_space<semaphore_mem>>)
        %dma_start3A_361 = arith.constant 128 : i32
        %dma_start3A_362 = arith.constant 0 : i32
        %dma_start3A_363 = tpu.memref_slice %arg12[%dma_start3A_361, %dma_start3A_362] : memref<200x64xf32, #tpu.memory_space<vmem>> -> memref<72x64xf32, #tpu.memory_space<vmem>>
        %dma_start3A_364 = arith.constant 128 : i32
        %dma_start3A_365 = tpu.memref_slice %arg8[%dma_start3A_364] : memref<200xi32, #tpu.memory_space<vmem>> -> memref<72xi32, #tpu.memory_space<vmem>>
        %dma_start3A_366 = arith.constant 0 : i32
        %dma_start3A_367 = arith.constant 0 : i32
        %dma_start3A_368 = tpu.memref_slice %arg3[%dma_start3A_366, %dma_start3A_367] : memref<2000000x64xf32, #tpu.memory_space<hbm>> -> memref<2000000x64xf32, #tpu.memory_space<hbm>>
        tpu.enqueue_indirect_dma source(%dma_start3A_368 : memref<2000000x64xf32, #tpu.memory_space<hbm>>) target(%dma_start3A_363 : memref<72x64xf32, #tpu.memory_space<vmem>>) offsets(%dma_start3A_365 : memref<72xi32, #tpu.memory_space<vmem>>) semaphore(%arg17 : memref<!tpu.dma_semaphore, #tpu.memory_space<semaphore_mem>>)
      } else {
      }
      %add3A_288 = arith.constant 3 : i32
      %add3A_289 = arith.addi %mul3A_155, %add3A_288 : i32
      %dma_wait3A_290 = arith.constant 0 : i32
      %dma_wait3A_291 = arith.constant 0 : i32
      %dma_wait3A_292 = tpu.memref_slice %arg13[%dma_wait3A_290, %dma_wait3A_291] : memref<200x64xf32, #tpu.memory_space<vmem>> -> memref<128x64xf32, #tpu.memory_space<vmem>>
      %dma_wait3A_293 = arith.constant 0 : i32
      %dma_wait3A_294 = tpu.memref_slice %arg9[%dma_wait3A_293] : memref<200xi32, #tpu.memory_space<vmem>> -> memref<128xi32, #tpu.memory_space<vmem>>
      %dma_wait3A_295 = arith.constant 0 : i32
      %dma_wait3A_296 = arith.constant 0 : i32
      %dma_wait3A_297 = tpu.memref_slice %arg3[%dma_wait3A_295, %dma_wait3A_296] : memref<2000000x64xf32, #tpu.memory_space<hbm>> -> memref<2000000x64xf32, #tpu.memory_space<hbm>>
      tpu.wait_indirect_dma semaphore(%arg18 : memref<!tpu.dma_semaphore, #tpu.memory_space<semaphore_mem>>) src(%dma_wait3A_297 : memref<2000000x64xf32, #tpu.memory_space<hbm>>) dst(%dma_wait3A_292 : memref<128x64xf32, #tpu.memory_space<vmem>>)
      %dma_wait3A_298 = arith.constant 128 : i32
      %dma_wait3A_299 = arith.constant 0 : i32
      %dma_wait3A_300 = tpu.memref_slice %arg13[%dma_wait3A_298, %dma_wait3A_299] : memref<200x64xf32, #tpu.memory_space<vmem>> -> memref<72x64xf32, #tpu.memory_space<vmem>>
      %dma_wait3A_301 = arith.constant 128 : i32
      %dma_wait3A_302 = tpu.memref_slice %arg9[%dma_wait3A_301] : memref<200xi32, #tpu.memory_space<vmem>> -> memref<72xi32, #tpu.memory_space<vmem>>
      %dma_wait3A_303 = arith.constant 0 : i32
      %dma_wait3A_304 = arith.constant 0 : i32
      %dma_wait3A_305 = tpu.memref_slice %arg3[%dma_wait3A_303, %dma_wait3A_304] : memref<2000000x64xf32, #tpu.memory_space<hbm>> -> memref<2000000x64xf32, #tpu.memory_space<hbm>>
      tpu.wait_indirect_dma semaphore(%arg18 : memref<!tpu.dma_semaphore, #tpu.memory_space<semaphore_mem>>) src(%dma_wait3A_305 : memref<2000000x64xf32, #tpu.memory_space<hbm>>) dst(%dma_wait3A_300 : memref<72x64xf32, #tpu.memory_space<vmem>>)
      %scan3A_306 = arith.constant 0 : i32
      %scan3A_307 = arith.constant 200 : i32
      %scan3A_308 = arith.addi %scan3A_306, %scan3A_307 : i32
      %scan3A_309 = arith.constant 1 : i32
      scf.for %scan3A_333 = %scan3A_306 to %scan3A_308 step %scan3A_309  : i32 {
        %mul3A_334 = arith.constant 1 : i32
        %mul3A_335 = arith.muli %scan3A_333, %mul3A_334 : i32
        %add3A_336 = arith.constant 0 : i32
        %add3A_337 = arith.addi %add3A_336, %mul3A_335 : i32
        %get3A = arith.index_cast %add3A_337 : i32 to index
        %get3A_338 = arith.constant 0 : index
        %get3A_339 = tpu.vector_load %arg13[%get3A, %get3A_338] {strides = array<i32>} : memref<200x64xf32, #tpu.memory_space<vmem>>, vector<1x16xf32>,
        %get3A_340 = vector.shape_cast %get3A_339 : vector<1x16xf32> to vector<16xf32>
        %get3A_341 = arith.index_cast %add3A_337 : i32 to index
        %get3A_342 = arith.constant 0 : index
        %get3A_343 = tpu.vector_load %arg14[%get3A_341, %get3A_342] {strides = array<i32>} : memref<200x64xf32, #tpu.memory_space<vmem>>, vector<1x16xf32>,
        %get3A_344 = vector.shape_cast %get3A_343 : vector<1x16xf32> to vector<16xf32>
        %add3A_345 = arith.addf %get3A_340, %get3A_344 : vector<16xf32>
        %swap3A = arith.index_cast %add3A_337 : i32 to index
        %swap3A_346 = arith.constant 0 : index
        %swap3A_347 = tpu.vector_load %arg13[%swap3A, %swap3A_346] {strides = array<i32>} : memref<200x64xf32, #tpu.memory_space<vmem>>, vector<1x16xf32>,
        %swap3A_348 = vector.shape_cast %swap3A_347 : vector<1x16xf32> to vector<16xf32>
        %swap3A_349 = vector.shape_cast %add3A_345 : vector<16xf32> to vector<1x16xf32>
        tpu.vector_store %arg13[%swap3A, %swap3A_346], %swap3A_349 {strides = array<i32>} : memref<200x64xf32, #tpu.memory_space<vmem>>, vector<1x16xf32>,
        %get3A_350 = arith.index_cast %add3A_337 : i32 to index
        %get3A_351 = arith.constant 16 : index
        %get3A_352 = tpu.vector_load %arg13[%get3A_350, %get3A_351] {strides = array<i32>} : memref<200x64xf32, #tpu.memory_space<vmem>>, vector<1x16xf32>,
        %get3A_353 = vector.shape_cast %get3A_352 : vector<1x16xf32> to vector<16xf32>
        %get3A_354 = arith.index_cast %add3A_337 : i32 to index
        %get3A_355 = arith.constant 16 : index
        %get3A_356 = tpu.vector_load %arg14[%get3A_354, %get3A_355] {strides = array<i32>} : memref<200x64xf32, #tpu.memory_space<vmem>>, vector<1x16xf32>,
        %get3A_357 = vector.shape_cast %get3A_356 : vector<1x16xf32> to vector<16xf32>
        %add3A_358 = arith.addf %get3A_353, %get3A_357 : vector<16xf32>
        %swap3A_359 = arith.index_cast %add3A_337 : i32 to index
        %swap3A_360 = arith.constant 16 : index
        %swap3A_361 = tpu.vector_load %arg13[%swap3A_359, %swap3A_360] {strides = array<i32>} : memref<200x64xf32, #tpu.memory_space<vmem>>, vector<1x16xf32>,
        %swap3A_362 = vector.shape_cast %swap3A_361 : vector<1x16xf32> to vector<16xf32>
        %swap3A_363 = vector.shape_cast %add3A_358 : vector<16xf32> to vector<1x16xf32>
        tpu.vector_store %arg13[%swap3A_359, %swap3A_360], %swap3A_363 {strides = array<i32>} : memref<200x64xf32, #tpu.memory_space<vmem>>, vector<1x16xf32>,
        %get3A_364 = arith.index_cast %add3A_337 : i32 to index
        %get3A_365 = arith.constant 32 : index
        %get3A_366 = tpu.vector_load %arg13[%get3A_364, %get3A_365] {strides = array<i32>} : memref<200x64xf32, #tpu.memory_space<vmem>>, vector<1x16xf32>,
        %get3A_367 = vector.shape_cast %get3A_366 : vector<1x16xf32> to vector<16xf32>
        %get3A_368 = arith.index_cast %add3A_337 : i32 to index
        %get3A_369 = arith.constant 32 : index
        %get3A_370 = tpu.vector_load %arg14[%get3A_368, %get3A_369] {strides = array<i32>} : memref<200x64xf32, #tpu.memory_space<vmem>>, vector<1x16xf32>,
        %get3A_371 = vector.shape_cast %get3A_370 : vector<1x16xf32> to vector<16xf32>
        %add3A_372 = arith.addf %get3A_367, %get3A_371 : vector<16xf32>
        %swap3A_373 = arith.index_cast %add3A_337 : i32 to index
        %swap3A_374 = arith.constant 32 : index
        %swap3A_375 = tpu.vector_load %arg13[%swap3A_373, %swap3A_374] {strides = array<i32>} : memref<200x64xf32, #tpu.memory_space<vmem>>, vector<1x16xf32>,
        %swap3A_376 = vector.shape_cast %swap3A_375 : vector<1x16xf32> to vector<16xf32>
        %swap3A_377 = vector.shape_cast %add3A_372 : vector<16xf32> to vector<1x16xf32>
        tpu.vector_store %arg13[%swap3A_373, %swap3A_374], %swap3A_377 {strides = array<i32>} : memref<200x64xf32, #tpu.memory_space<vmem>>, vector<1x16xf32>,
        %get3A_378 = arith.index_cast %add3A_337 : i32 to index
        %get3A_379 = arith.constant 48 : index
        %get3A_380 = tpu.vector_load %arg13[%get3A_378, %get3A_379] {strides = array<i32>} : memref<200x64xf32, #tpu.memory_space<vmem>>, vector<1x16xf32>,
        %get3A_381 = vector.shape_cast %get3A_380 : vector<1x16xf32> to vector<16xf32>
        %get3A_382 = arith.index_cast %add3A_337 : i32 to index
        %get3A_383 = arith.constant 48 : index
        %get3A_384 = tpu.vector_load %arg14[%get3A_382, %get3A_383] {strides = array<i32>} : memref<200x64xf32, #tpu.memory_space<vmem>>, vector<1x16xf32>,
        %get3A_385 = vector.shape_cast %get3A_384 : vector<1x16xf32> to vector<16xf32>
        %add3A_386 = arith.addf %get3A_381, %get3A_385 : vector<16xf32>
        %swap3A_387 = arith.index_cast %add3A_337 : i32 to index
        %swap3A_388 = arith.constant 48 : index
        %swap3A_389 = tpu.vector_load %arg13[%swap3A_387, %swap3A_388] {strides = array<i32>} : memref<200x64xf32, #tpu.memory_space<vmem>>, vector<1x16xf32>,
        %swap3A_390 = vector.shape_cast %swap3A_389 : vector<1x16xf32> to vector<16xf32>
        %swap3A_391 = vector.shape_cast %add3A_386 : vector<16xf32> to vector<1x16xf32>
        tpu.vector_store %arg13[%swap3A_387, %swap3A_388], %swap3A_391 {strides = array<i32>} : memref<200x64xf32, #tpu.memory_space<vmem>>, vector<1x16xf32>,
      }
      %scan3A_310 = arith.constant 200 : i32
      %add3A_311 = arith.addi %mul3A_2, %add3A_289 : i32
      %dma_start3A_312 = arith.constant 0 : i32
      %dma_start3A_313 = arith.constant 0 : i32
      %dma_start3A_314 = tpu.memref_slice %arg5[%add3A_311, %dma_start3A_312, %dma_start3A_313] : memref<1024x200x128xf32, #tpu.memory_space<hbm>> -> memref<1x200x128xf32, #tpu.memory_space<hbm>>
      %dma_start3A_315 = tpu.memref_squeeze %dma_start3A_314 : memref<1x200x128xf32, #tpu.memory_space<hbm>> -> memref<200x128xf32, #tpu.memory_space<hbm>>
      %dma_start3A_316 = arith.constant 0 : i32
      %dma_start3A_317 = arith.constant 0 : i32
      %dma_start3A_318 = tpu.memref_slice %dma_start3A_315[%dma_start3A_316, %dma_start3A_317] : memref<200x128xf32, #tpu.memory_space<hbm>> -> memref<200x64xf32, #tpu.memory_space<hbm>>
      %dma_start3A_319 = arith.constant 0 : i32
      %dma_start3A_320 = arith.constant 0 : i32
      %dma_start3A_321 = tpu.memref_slice %arg5[%add3A_311, %dma_start3A_319, %dma_start3A_320] : memref<1024x200x128xf32, #tpu.memory_space<hbm>> -> memref<1x200x128xf32, #tpu.memory_space<hbm>>
      %dma_start3A_322 = tpu.memref_squeeze %dma_start3A_321 : memref<1x200x128xf32, #tpu.memory_space<hbm>> -> memref<200x128xf32, #tpu.memory_space<hbm>>
      %dma_start3A_323 = arith.constant 0 : i32
      %dma_start3A_324 = arith.constant 0 : i32
      %dma_start3A_325 = tpu.memref_slice %dma_start3A_322[%dma_start3A_323, %dma_start3A_324] : memref<200x128xf32, #tpu.memory_space<hbm>> -> memref<200x64xf32, #tpu.memory_space<hbm>>
      tpu.enqueue_dma source(%arg13 : memref<200x64xf32, #tpu.memory_space<vmem>>) target(%dma_start3A_325 : memref<200x64xf32, #tpu.memory_space<hbm>>) target_semaphore(%arg22 : memref<!tpu.dma_semaphore, #tpu.memory_space<semaphore_mem>>)
      %add3A_326 = arith.constant 4 : i32
      %add3A_327 = arith.addi %add3A_289, %add3A_326 : i32
      %lt3A_328 = arith.constant 32 : i32
      %lt3A_329 = arith.cmpi slt, %add3A_327, %lt3A_328 : i32
      %convert_element_type3A_330 = arith.extui %lt3A_329 : i1 to i32
      %cond3A_331 = arith.constant 0 : i32
      %cond3A_332 = arith.cmpi ne, %convert_element_type3A_330, %cond3A_331 : i32
      scf.if %cond3A_332 {
        %add3A_333 = arith.addi %mul3A_2, %add3A_289 : i32
        %dma_wait3A_334 = arith.constant 0 : i32
        %dma_wait3A_335 = arith.constant 0 : i32
        %dma_wait3A_336 = tpu.memref_slice %arg5[%add3A_333, %dma_wait3A_334, %dma_wait3A_335] : memref<1024x200x128xf32, #tpu.memory_space<hbm>> -> memref<1x200x128xf32, #tpu.memory_space<hbm>>
        %dma_wait3A_337 = tpu.memref_squeeze %dma_wait3A_336 : memref<1x200x128xf32, #tpu.memory_space<hbm>> -> memref<200x128xf32, #tpu.memory_space<hbm>>
        %dma_wait3A_338 = arith.constant 0 : i32
        %dma_wait3A_339 = arith.constant 0 : i32
        %dma_wait3A_340 = tpu.memref_slice %dma_wait3A_337[%dma_wait3A_338, %dma_wait3A_339] : memref<200x128xf32, #tpu.memory_space<hbm>> -> memref<200x64xf32, #tpu.memory_space<hbm>>
        %dma_wait3A_341 = arith.constant 0 : i32
        %dma_wait3A_342 = arith.constant 0 : i32
        %dma_wait3A_343 = tpu.memref_slice %arg5[%add3A_333, %dma_wait3A_341, %dma_wait3A_342] : memref<1024x200x128xf32, #tpu.memory_space<hbm>> -> memref<1x200x128xf32, #tpu.memory_space<hbm>>
        %dma_wait3A_344 = tpu.memref_squeeze %dma_wait3A_343 : memref<1x200x128xf32, #tpu.memory_space<hbm>> -> memref<200x128xf32, #tpu.memory_space<hbm>>
        %dma_wait3A_345 = arith.constant 0 : i32
        %dma_wait3A_346 = arith.constant 0 : i32
        %dma_wait3A_347 = tpu.memref_slice %dma_wait3A_344[%dma_wait3A_345, %dma_wait3A_346] : memref<200x128xf32, #tpu.memory_space<hbm>> -> memref<200x64xf32, #tpu.memory_space<hbm>>
        tpu.wait_dma2 semaphore(%arg22 : memref<!tpu.dma_semaphore, #tpu.memory_space<semaphore_mem>>) src(%arg13 : memref<200x64xf32, #tpu.memory_space<vmem>>) dst(%dma_wait3A_347 : memref<200x64xf32, #tpu.memory_space<hbm>>)
        %add3A_348 = arith.constant 4 : i32
        %add3A_349 = arith.addi %add3A_289, %add3A_348 : i32
        %add3A_350 = arith.addi %mul3A_2, %add3A_349 : i32
        %mul3A_351 = arith.constant 200 : i32
        %mul3A_352 = arith.muli %add3A_350, %mul3A_351 : i32
        "tpu.region"() ({
          %run_scoped3A = tpu.sem_alloc : memref<!tpu.dma_semaphore, #tpu.memory_space<semaphore_mem>>
          %dma_start3A_369 = tpu.memref_slice %arg2[%mul3A_352] : memref<204800xi32, #tpu.memory_space<hbm>> -> memref<200xi32, #tpu.memory_space<hbm>>
          %dma_start3A_370 = tpu.memref_slice %arg2[%mul3A_352] : memref<204800xi32, #tpu.memory_space<hbm>> -> memref<200xi32, #tpu.memory_space<hbm>>
          tpu.enqueue_dma source(%dma_start3A_370 : memref<200xi32, #tpu.memory_space<hbm>>) target(%arg9 : memref<200xi32, #tpu.memory_space<vmem>>) target_semaphore(%run_scoped3A : memref<!tpu.dma_semaphore, #tpu.memory_space<semaphore_mem>>)
          %dma_wait3A_371 = tpu.memref_slice %arg2[%mul3A_352] : memref<204800xi32, #tpu.memory_space<hbm>> -> memref<200xi32, #tpu.memory_space<hbm>>
          %dma_wait3A_372 = tpu.memref_slice %arg2[%mul3A_352] : memref<204800xi32, #tpu.memory_space<hbm>> -> memref<200xi32, #tpu.memory_space<hbm>>
          tpu.wait_dma2 semaphore(%run_scoped3A : memref<!tpu.dma_semaphore, #tpu.memory_space<semaphore_mem>>) src(%dma_wait3A_372 : memref<200xi32, #tpu.memory_space<hbm>>) dst(%arg9 : memref<200xi32, #tpu.memory_space<vmem>>)
          tpu.yield
        }) : () -> ()
        %dma_start3A_353 = arith.constant 0 : i32
        %dma_start3A_354 = arith.constant 0 : i32
        %dma_start3A_355 = tpu.memref_slice %arg13[%dma_start3A_353, %dma_start3A_354] : memref<200x64xf32, #tpu.memory_space<vmem>> -> memref<128x64xf32, #tpu.memory_space<vmem>>
        %dma_start3A_356 = arith.constant 0 : i32
        %dma_start3A_357 = tpu.memref_slice %arg9[%dma_start3A_356] : memref<200xi32, #tpu.memory_space<vmem>> -> memref<128xi32, #tpu.memory_space<vmem>>
        %dma_start3A_358 = arith.constant 0 : i32
        %dma_start3A_359 = arith.constant 0 : i32
        %dma_start3A_360 = tpu.memref_slice %arg3[%dma_start3A_358, %dma_start3A_359] : memref<2000000x64xf32, #tpu.memory_space<hbm>> -> memref<2000000x64xf32, #tpu.memory_space<hbm>>
        tpu.enqueue_indirect_dma source(%dma_start3A_360 : memref<2000000x64xf32, #tpu.memory_space<hbm>>) target(%dma_start3A_355 : memref<128x64xf32, #tpu.memory_space<vmem>>) offsets(%dma_start3A_357 : memref<128xi32, #tpu.memory_space<vmem>>) semaphore(%arg18 : memref<!tpu.dma_semaphore, #tpu.memory_space<semaphore_mem>>)
        %dma_start3A_361 = arith.constant 128 : i32
        %dma_start3A_362 = arith.constant 0 : i32
        %dma_start3A_363 = tpu.memref_slice %arg13[%dma_start3A_361, %dma_start3A_362] : memref<200x64xf32, #tpu.memory_space<vmem>> -> memref<72x64xf32, #tpu.memory_space<vmem>>
        %dma_start3A_364 = arith.constant 128 : i32
        %dma_start3A_365 = tpu.memref_slice %arg9[%dma_start3A_364] : memref<200xi32, #tpu.memory_space<vmem>> -> memref<72xi32, #tpu.memory_space<vmem>>
        %dma_start3A_366 = arith.constant 0 : i32
        %dma_start3A_367 = arith.constant 0 : i32
        %dma_start3A_368 = tpu.memref_slice %arg3[%dma_start3A_366, %dma_start3A_367] : memref<2000000x64xf32, #tpu.memory_space<hbm>> -> memref<2000000x64xf32, #tpu.memory_space<hbm>>
        tpu.enqueue_indirect_dma source(%dma_start3A_368 : memref<2000000x64xf32, #tpu.memory_space<hbm>>) target(%dma_start3A_363 : memref<72x64xf32, #tpu.memory_space<vmem>>) offsets(%dma_start3A_365 : memref<72xi32, #tpu.memory_space<vmem>>) semaphore(%arg18 : memref<!tpu.dma_semaphore, #tpu.memory_space<semaphore_mem>>)
      } else {
      }
    }
    %scan3A_85 = arith.constant 8 : i32
    %add3A_86 = arith.constant 28 : i32
    %add3A_87 = arith.addi %mul3A_2, %add3A_86 : i32
    %dma_wait3A = arith.constant 0 : i32
    %dma_wait3A_88 = arith.constant 0 : i32
    %dma_wait3A_89 = tpu.memref_slice %arg5[%add3A_87, %dma_wait3A, %dma_wait3A_88] : memref<1024x200x128xf32, #tpu.memory_space<hbm>> -> memref<1x200x128xf32, #tpu.memory_space<hbm>>
    %dma_wait3A_90 = tpu.memref_squeeze %dma_wait3A_89 : memref<1x200x128xf32, #tpu.memory_space<hbm>> -> memref<200x128xf32, #tpu.memory_space<hbm>>
    %dma_wait3A_91 = arith.constant 0 : i32
    %dma_wait3A_92 = arith.constant 0 : i32
    %dma_wait3A_93 = tpu.memref_slice %dma_wait3A_90[%dma_wait3A_91, %dma_wait3A_92] : memref<200x128xf32, #tpu.memory_space<hbm>> -> memref<200x64xf32, #tpu.memory_space<hbm>>
    %dma_wait3A_94 = arith.constant 0 : i32
    %dma_wait3A_95 = arith.constant 0 : i32
    %dma_wait3A_96 = tpu.memref_slice %arg5[%add3A_87, %dma_wait3A_94, %dma_wait3A_95] : memref<1024x200x128xf32, #tpu.memory_space<hbm>> -> memref<1x200x128xf32, #tpu.memory_space<hbm>>
    %dma_wait3A_97 = tpu.memref_squeeze %dma_wait3A_96 : memref<1x200x128xf32, #tpu.memory_space<hbm>> -> memref<200x128xf32, #tpu.memory_space<hbm>>
    %dma_wait3A_98 = arith.constant 0 : i32
    %dma_wait3A_99 = arith.constant 0 : i32
    %dma_wait3A_100 = tpu.memref_slice %dma_wait3A_97[%dma_wait3A_98, %dma_wait3A_99] : memref<200x128xf32, #tpu.memory_space<hbm>> -> memref<200x64xf32, #tpu.memory_space<hbm>>
    tpu.wait_dma2 semaphore(%arg19 : memref<!tpu.dma_semaphore, #tpu.memory_space<semaphore_mem>>) src(%arg10 : memref<200x64xf32, #tpu.memory_space<vmem>>) dst(%dma_wait3A_100 : memref<200x64xf32, #tpu.memory_space<hbm>>)
    %add3A_101 = arith.constant 29 : i32
    %add3A_102 = arith.addi %mul3A_2, %add3A_101 : i32
    %dma_wait3A_103 = arith.constant 0 : i32
    %dma_wait3A_104 = arith.constant 0 : i32
    %dma_wait3A_105 = tpu.memref_slice %arg5[%add3A_102, %dma_wait3A_103, %dma_wait3A_104] : memref<1024x200x128xf32, #tpu.memory_space<hbm>> -> memref<1x200x128xf32, #tpu.memory_space<hbm>>
    %dma_wait3A_106 = tpu.memref_squeeze %dma_wait3A_105 : memref<1x200x128xf32, #tpu.memory_space<hbm>> -> memref<200x128xf32, #tpu.memory_space<hbm>>
    %dma_wait3A_107 = arith.constant 0 : i32
    %dma_wait3A_108 = arith.constant 0 : i32
    %dma_wait3A_109 = tpu.memref_slice %dma_wait3A_106[%dma_wait3A_107, %dma_wait3A_108] : memref<200x128xf32, #tpu.memory_space<hbm>> -> memref<200x64xf32, #tpu.memory_space<hbm>>
    %dma_wait3A_110 = arith.constant 0 : i32
    %dma_wait3A_111 = arith.constant 0 : i32
    %dma_wait3A_112 = tpu.memref_slice %arg5[%add3A_102, %dma_wait3A_110, %dma_wait3A_111] : memref<1024x200x128xf32, #tpu.memory_space<hbm>> -> memref<1x200x128xf32, #tpu.memory_space<hbm>>
    %dma_wait3A_113 = tpu.memref_squeeze %dma_wait3A_112 : memref<1x200x128xf32, #tpu.memory_space<hbm>> -> memref<200x128xf32, #tpu.memory_space<hbm>>
    %dma_wait3A_114 = arith.constant 0 : i32
    %dma_wait3A_115 = arith.constant 0 : i32
    %dma_wait3A_116 = tpu.memref_slice %dma_wait3A_113[%dma_wait3A_114, %dma_wait3A_115] : memref<200x128xf32, #tpu.memory_space<hbm>> -> memref<200x64xf32, #tpu.memory_space<hbm>>
    tpu.wait_dma2 semaphore(%arg20 : memref<!tpu.dma_semaphore, #tpu.memory_space<semaphore_mem>>) src(%arg11 : memref<200x64xf32, #tpu.memory_space<vmem>>) dst(%dma_wait3A_116 : memref<200x64xf32, #tpu.memory_space<hbm>>)
    %add3A_117 = arith.constant 30 : i32
    %add3A_118 = arith.addi %mul3A_2, %add3A_117 : i32
    %dma_wait3A_119 = arith.constant 0 : i32
    %dma_wait3A_120 = arith.constant 0 : i32
    %dma_wait3A_121 = tpu.memref_slice %arg5[%add3A_118, %dma_wait3A_119, %dma_wait3A_120] : memref<1024x200x128xf32, #tpu.memory_space<hbm>> -> memref<1x200x128xf32, #tpu.memory_space<hbm>>
    %dma_wait3A_122 = tpu.memref_squeeze %dma_wait3A_121 : memref<1x200x128xf32, #tpu.memory_space<hbm>> -> memref<200x128xf32, #tpu.memory_space<hbm>>
    %dma_wait3A_123 = arith.constant 0 : i32
    %dma_wait3A_124 = arith.constant 0 : i32
    %dma_wait3A_125 = tpu.memref_slice %dma_wait3A_122[%dma_wait3A_123, %dma_wait3A_124] : memref<200x128xf32, #tpu.memory_space<hbm>> -> memref<200x64xf32, #tpu.memory_space<hbm>>
    %dma_wait3A_126 = arith.constant 0 : i32
    %dma_wait3A_127 = arith.constant 0 : i32
    %dma_wait3A_128 = tpu.memref_slice %arg5[%add3A_118, %dma_wait3A_126, %dma_wait3A_127] : memref<1024x200x128xf32, #tpu.memory_space<hbm>> -> memref<1x200x128xf32, #tpu.memory_space<hbm>>
    %dma_wait3A_129 = tpu.memref_squeeze %dma_wait3A_128 : memref<1x200x128xf32, #tpu.memory_space<hbm>> -> memref<200x128xf32, #tpu.memory_space<hbm>>
    %dma_wait3A_130 = arith.constant 0 : i32
    %dma_wait3A_131 = arith.constant 0 : i32
    %dma_wait3A_132 = tpu.memref_slice %dma_wait3A_129[%dma_wait3A_130, %dma_wait3A_131] : memref<200x128xf32, #tpu.memory_space<hbm>> -> memref<200x64xf32, #tpu.memory_space<hbm>>
    tpu.wait_dma2 semaphore(%arg21 : memref<!tpu.dma_semaphore, #tpu.memory_space<semaphore_mem>>) src(%arg12 : memref<200x64xf32, #tpu.memory_space<vmem>>) dst(%dma_wait3A_132 : memref<200x64xf32, #tpu.memory_space<hbm>>)
    %add3A_133 = arith.constant 31 : i32
    %add3A_134 = arith.addi %mul3A_2, %add3A_133 : i32
    %dma_wait3A_135 = arith.constant 0 : i32
    %dma_wait3A_136 = arith.constant 0 : i32
    %dma_wait3A_137 = tpu.memref_slice %arg5[%add3A_134, %dma_wait3A_135, %dma_wait3A_136] : memref<1024x200x128xf32, #tpu.memory_space<hbm>> -> memref<1x200x128xf32, #tpu.memory_space<hbm>>
    %dma_wait3A_138 = tpu.memref_squeeze %dma_wait3A_137 : memref<1x200x128xf32, #tpu.memory_space<hbm>> -> memref<200x128xf32, #tpu.memory_space<hbm>>
    %dma_wait3A_139 = arith.constant 0 : i32
    %dma_wait3A_140 = arith.constant 0 : i32
    %dma_wait3A_141 = tpu.memref_slice %dma_wait3A_138[%dma_wait3A_139, %dma_wait3A_140] : memref<200x128xf32, #tpu.memory_space<hbm>> -> memref<200x64xf32, #tpu.memory_space<hbm>>
    %dma_wait3A_142 = arith.constant 0 : i32
    %dma_wait3A_143 = arith.constant 0 : i32
    %dma_wait3A_144 = tpu.memref_slice %arg5[%add3A_134, %dma_wait3A_142, %dma_wait3A_143] : memref<1024x200x128xf32, #tpu.memory_space<hbm>> -> memref<1x200x128xf32, #tpu.memory_space<hbm>>
    %dma_wait3A_145 = tpu.memref_squeeze %dma_wait3A_144 : memref<1x200x128xf32, #tpu.memory_space<hbm>> -> memref<200x128xf32, #tpu.memory_space<hbm>>
    %dma_wait3A_146 = arith.constant 0 : i32
    %dma_wait3A_147 = arith.constant 0 : i32
    %dma_wait3A_148 = tpu.memref_slice %dma_wait3A_145[%dma_wait3A_146, %dma_wait3A_147] : memref<200x128xf32, #tpu.memory_space<hbm>> -> memref<200x64xf32, #tpu.memory_space<hbm>>
    tpu.wait_dma2 semaphore(%arg22 : memref<!tpu.dma_semaphore, #tpu.memory_space<semaphore_mem>>) src(%arg13 : memref<200x64xf32, #tpu.memory_space<vmem>>) dst(%dma_wait3A_148 : memref<200x64xf32, #tpu.memory_space<hbm>>)
    return
  }
}

</mosaic_0001>

<sc_bundles>
// kernel: kernel.3.cloned.1.call-start
scs
__scs_entry_jumppad:
0x0: {  	(pc) =	sbr.rel $0x88, $3  }
0x1: {  	(tag) =	ssettag $0x0;
	lr =	simm.s32 $0x1  }
0x2: {  	[smem:$0x3F9E] =	sst lr;
	_ =	strace $0xD0000000  }
0x3: {  	_ = 	snop  }
0x4: {  	_ = 	snop  }
0x5: {  	_ = 	snop  }
0x6: {  	_ = 	snop  }
0x7: {  	_ = 	snop  }
__scs_overlays_trampoline_lowered:
0x8: {  	[smem:$0x3FAD] =	sst s0  }
0x9: {  	[smem:$0x3FAE] =	sst s1  }
0xa: {  	[smem:$0x3FAF] =	sst s2  }
0xb: {  	[smem:$0x3FB0] =	sst s3  }
0xc: {  	[smem:$0x3FB1] =	sst s4  }
0xd: {  	[smem:$0x3FB2] =	sst s5  }
0xe: {  	[smem:$0x3FB3] =	sst s6  }
0xf: {  	[smem:$0x3FB4] =	sst s7  }
0x10: {  	[smem:$0x3FB5] =	sst s8  }
0x11: {  	[smem:$0x3FB6] =	sst s9;
	s0 =	simm.s32 @!p0 $0x0  }
0x12: {  	s1 =	sld [smem:$0x3F9C];
	s0 =	simm.s32 @p0 $0x1  }
0x13: {  	[smem:$0x3FB7] =	sst s0;
	s0 =	simm.s32 @!p1 $0x0  }
0x14: {  	s2 =	sld [smem:$0x3F9B];
	s0 =	simm.s32 @p1 $0x1  }
0x15: {  	[smem:$0x3FB8] =	sst s0;
	s0 =	simm.s32 @!p2 $0x0  }
0x16: {  	s3 =	sld [smem:$0x3FDB];
	s0 =	simm.s32 @p2 $0x1  }
0x17: {  	s4 =	simm.s32 $0x1BF5;
	[smem:$0x3FBA] =	sst s0  }
0x18: {  	s0 =	sld [smem:$0x3F9D];
	_ =	swait.ge [sflag:s4], $0x0  }
0x19: {  	s7 =	sld [smem:$0x3F9E]  }
0x1a: {  	s8 =	sadd.s32 $0xFFFFE003, lr  }
0x1b: {  	s9 =	sadd.s32 $0xFFFFFEF7, lr;
	s5 =	simm.s32 $0xFFFFFFFF;
	p2 =	slt.u32 s8, $0xFFFFF086  }
0x1c: {  	p1 =	slt.u32 s9, $0xF7A;
	s5 =	simm.s32 @!p2 $0x0  }
0x1d: {  	s5 =	simm.s32 @p1 $0x1;
	p0 =	seq.s32 s7, s2  }
0x1e: {  	s7 =	smul.u32 @!p0 $0xF7A, s2;
	p2 =	seq.s32 @!p0 s5, $0x0  }
0x1f: {  	s9 =	smul.u32 $0xF7A, s1;
	s8 =	simm.s32 @!p0 $0x1BF5;
	p2 =	por !p2, p0  }
0x20: {  	[sflag:s8] =	ssyncset.s32 @!p0 $0xFFFFF086;
	s6 =	sadd.s32 @!p0 s3, s7;
	s7 =	simm.s32 @!p0 $0x108  }
0x21: {  	s3 =	sadd.s32 s3, s9;
	s6 =	sadd.s32 @!p0 $0x88, s6;
	s7 =	simm.s32 @p2 $0x1082  }
0x22: {  	[simem:s7], [sflag:s8] =	dma.local @!p0 [hbm:s6], $0xF7A  }
0x23: {  	s9 =	sor.u32 $0xD0000000, s2;
	s6 =	simm.s32 $0x108;
	_ =	swait.ge @!p0 [sflag:s8], $0x0  }
0x24: {  	s3 =	sadd.s32 $0x88, s3;
	s6 =	simm.s32 @!p1 $0x1082;
	[sflag:s4] =	ssyncset.s32 $0xFFFFF086  }
0x25: {  	[simem:s6], [sflag:s4] =	dma.local [hbm:s3], $0xF7A  }
0x26: {  	[smem:$0x3F9E] =	sst s1;
	(tag) =	ssettag s2;
	_ =	strace s9  }
0x27: {  	s1 =	sld [smem:$0x3FAE]  }
0x28: {  	s2 =	sld [smem:$0x3FAF]  }
0x29: {  	s4 =	sld [smem:$0x3FB1]  }
0x2a: {  	p0 =	seq.s32 s5, $0x0;
	s5 =	sld [smem:$0x3FB2]  }
0x2b: {  	s6 =	sld [smem:$0x3FB3]  }
0x2c: {  	s7 =	sld [smem:$0x3FB4]  }
0x2d: {  	s3 =	simm.s32 $0x108;
	s8 =	sld [smem:$0x3FB5]  }
0x2e: {  	s3 =	simm.s32 @!p0 $0x1082;
	s9 =	sld [smem:$0x3FB6]  }
0x2f: {  	lr =	sadd.s32 s0, s3;
	s0 =	sld [smem:$0x3FAD]  }
0x30: {  	s3 =	sld [smem:$0x3FB0]  }
0x31: {  	[smem:$0x3FB9] =	sst s10  }
0x32: {  	s10 =	sld [smem:$0x3FB7];
	_ =	sdelay $0x3  }
0x33: {  	p0 =	seq.s32 s10, $0x1;
	s10 =	sld [smem:$0x3FB9];
	_ =	sdelay $0x3  }
0x34: {  	[smem:$0x3FB9] =	sst s10  }
0x35: {  	s10 =	sld [smem:$0x3FB8];
	_ =	sdelay $0x3  }
0x36: {  	p1 =	seq.s32 s10, $0x1;
	s10 =	sld [smem:$0x3FB9];
	_ =	sdelay $0x3  }
0x37: {  	[smem:$0x3FB9] =	sst s10  }
0x38: {  	s10 =	sld [smem:$0x3FBA]  }
0x39: {  	_ = 	snop;
	(pc) =	sbr.ind lr, $3  }
0x3a: {  	_ = 	snop  }
0x3b: {  	_ = 	snop  }
0x3c: {  	p2 =	seq.s32 s10, $0x1;
	s10 =	sld [smem:$0x3FB9]  }
0x3d: {  	_ =	shalt  }
0x3e: {  	_ =	shalt  }
0x3f: {  	_ =	shalt  }
0x40: {  	_ =	shalt  }
0x41: {  	_ =	shalt  }
0x42: {  	_ =	shalt  }
0x43: {  	_ =	shalt  }
0x44: {  	_ =	shalt  }
0x45: {  	_ =	shalt  }
0x46: {  	_ =	shalt  }
0x47: {  	_ =	shalt  }
0x48: {  	_ =	shalt  }
0x49: {  	_ =	shalt  }
0x4a: {  	_ =	shalt  }
0x4b: {  	_ =	shalt  }
0x4c: {  	_ =	shalt  }
0x4d: {  	_ =	shalt  }
0x4e: {  	_ =	shalt  }
0x4f: {  	_ =	shalt  }
0x50: {  	_ =	shalt  }
0x51: {  	_ =	shalt  }
0x52: {  	_ =	shalt  }
0x53: {  	_ =	shalt  }
0x54: {  	_ =	shalt  }
0x55: {  	_ =	shalt  }
0x56: {  	_ =	shalt  }
0x57: {  	_ =	shalt  }
0x58: {  	_ =	shalt  }
0x59: {  	_ =	shalt  }
0x5a: {  	_ =	shalt  }
0x5b: {  	_ =	shalt  }
0x5c: {  	_ =	shalt  }
0x5d: {  	_ =	shalt  }
0x5e: {  	_ =	shalt  }
0x5f: {  	_ =	shalt  }
0x60: {  	_ =	shalt  }
0x61: {  	_ =	shalt  }
0x62: {  	_ =	shalt  }
0x63: {  	_ =	shalt  }
0x64: {  	_ =	shalt  }
0x65: {  	_ =	shalt  }
0x66: {  	_ =	shalt  }
0x67: {  	_ =	shalt  }
0x68: {  	_ =	shalt  }
0x69: {  	_ =	shalt  }
0x6a: {  	_ =	shalt  }
0x6b: {  	_ =	shalt  }
0x6c: {  	_ =	shalt  }
0x6d: {  	_ =	shalt  }
0x6e: {  	_ =	shalt  }
0x6f: {  	_ =	shalt  }
0x70: {  	_ =	shalt  }
0x71: {  	_ =	shalt  }
0x72: {  	_ =	shalt  }
0x73: {  	_ =	shalt  }
0x74: {  	_ =	shalt  }
0x75: {  	_ =	shalt  }
0x76: {  	_ =	shalt  }
0x77: {  	_ =	shalt  }
0x78: {  	_ =	shalt  }
0x79: {  	_ =	shalt  }
0x7a: {  	_ =	shalt  }
0x7b: {  	_ =	shalt  }
0x7c: {  	_ =	shalt  }
0x7d: {  	_ =	shalt  }
0x7e: {  	_ =	shalt  }
0x7f: {  	_ =	shalt  }
0x80: {  	_ =	shalt  }
0x81: {  	_ =	shalt  }
0x82: {  	_ =	shalt  }
0x83: {  	_ =	shalt  }
0x84: {  	_ =	shalt  }
0x85: {  	_ =	shalt  }
0x86: {  	_ =	shalt  }
0x87: {  	_ =	shalt  }
.Lfunc_end0:
.L_simem_size_0:
called_computation.2_lowered:
.L_overlay_start_0:
0x88: {  	s2 =	sld [smem:$0x3FD9]  }
0x89: {  	s3 =	sld [smem:$0x3FFE];
	_ =	sdelay $0x1  }
0x8a: {  	s1 =	srdreg.scid  }
0x8b: {  	s0 =	sand.u32 $0x1, s1  }
0x8c: {  	s17 =	sshll.u32 s0, $0xA;
	s2 =	sadd.s32 s3, s2  }
0x8d: {  	s2 =	sadd.s32 s2, s17  }
0x8e: {  	[smem:$0x3FC5] =	sst s2  }
0x8f: {  	_ = 	snop  }
0x90: {  	s2 =	sld [smem:$0x3FD0];
	(tm) =	ssettm $0x1  }
0x91: {  	s18 =	sld [smem:$0x3FFB];
	_ =	sdelay $0x3  }
0x92: {  	_ =	strace s18  }
0x93: {  	s3 =	sld [smem:$0x3FFC];
	_ =	sdelay $0x3  }
0x94: {  	_ =	strace s3  }
0x95: {  	s3 =	sld [smem:$0x3FFD];
	_ =	sdelay $0x3  }
0x96: {  	_ =	strace s3  }
0x97: {  	_ =	strace $0x8FFFFFFF  }
0x98: {  	s19 =	sld [smem:$0x3FDB];
	_ =	sdelay $0x1  }
0x99: {  	s4 =	simm.s32 $_scs_section_size  }
0x9a: {  	s5 =	simm.s32 $_size__tile_overlayer_lowered;
	s6 =	simm.s32 $_tile_overlayer_lowered  }
0x9b: {  	s22 =	simm.s32 $0x1BFF;
	s21 =	sshll.u32 s6, $0x1;
	s3 =	sadd.s32 s4, s19  }
0x9c: {  	s7 =	simm.s32 $0x0;
	s20 =	sshll.u32 s5, $0x1;
	s5 =	sadd.s32 s21, s3  }
0x9d: {  	[timem:s7], [sflag:s22] =	dma.local [hbm:s5], s20  }
0x9e: {  	_ =	swait.ge [sflag:s22], s20  }
0x9f: {  	s4 =	ssub.s32 $0x0, s20;
	[sflag:s22] =	ssyncset.done $0x0  }
0xa0: {  	[sflag:s22] =	ssyncadd.s32 s4;
	_ =	sdelay $0x1  }
0xa1: {  	s23 =	simm.s32 $0x1B8B  }
0xa2: {  	_ =	swait.ge [sflag:s23], $0x1  }
0xa3: {  	[sflag:s23] =	ssyncset.done $0x0  }
0xa4: {  	s25 =	simm.s32 $0x1B8E;
	s24 =	sld [smem:$0x3FFE];
	[sflag:s23] =	ssyncadd.s32 $0xFFFFFFFF  }
0xa5: {  	s26 =	simm.s32 $execute0_lowered;
	[smem:$0x3FD2] =	sst s25  }
0xa6: {  	s5 =	sshll.u32 s26, $0x1;
	_ =	strace $0x80000049;
	[dreg:$0x1] =	wrdreg $0xFFFFFFFF  }
0xa7: {  	s28 =	simm.s32 $_size_execute0_lowered;
	s3 =	sadd.s32 s3, s5;
	[dreg:$0x0] =	wrdreg $0x0  }
0xa8: {  	s5 =	sshll.u32 s28, $0x1;
	[dreg:$0x2] =	wrdreg s3  }
0xa9: {  	[dreg:$0x3] =	wrdreg s5  }
0xaa: {  	[dreg:$0x4] =	wrdreg $0xC0  }
0xab: {  	_ =	task [dreg:s7], $0x5FFFF  }
0xac: {  	[dreg:$0x1] =	wrdreg $0xFFFFFFFF  }
0xad: {  	[dreg:$0x0] =	wrdreg $0x60  }
0xae: {  	[dreg:$0x2] =	wrdreg s2  }
0xaf: {  	[dreg:$0x3] =	wrdreg s24  }
0xb0: {  	[dreg:$0x4] =	wrdreg $0x9  }
0xb1: {  	_ =	task.clear_ibuf [dreg:s7], $0x5FFFF;
	_ =	strace $0x90000049  }
0xb2: {  	s29 =	simm.s32 $0x9;
	_ =	strace $0x8000004B  }
0xb3: {  	_ =	swait.ge [sflag:s29], $0x1  }
0xb4: {  	[sflag:s29] =	ssyncadd.s32 $0xFFFFFFFF  }
0xb5: {  	_ =	strace $0x9000004B  }
0xb6: {  	_ =	sfence  }
0xb7: {  	s30 =	sld [smem:$0x0];
	_ =	sdelay $0x2  }
0xb8: {  	s31 =	sshll.u32 s1, $0xD;
	s1 =	sshrl.u32 s1, $0x2  }
0xb9: {  	s3 =	sand.u32 $0x4000, s31;
	s1 =	sadd.s32 s1, s30  }
0xba: {  	s0 =	sor.u32 s3, s0;
	s1 =	sshll.u32 s1, $0x11  }
0xbb: {  	s0 =	sor.u32 s1, s0  }
0xbc: {  	s0 =	sadd.s32 $0x8F2B, s0  }
0xbd: {  	[sflag:s0] =	ssyncadd.remote.s32 $0x1  }
0xbe: {  	_ =	sfence.sel $0xFFFF  }
0xbf: {  	[dreg:$0x0] =	wrdreg $0xFFFFFFFF;
	(pc) =	sbr.abs _section_cstart, $3  }
0xc0: {  	[dreg:$0x1] =	wrdreg $0xFFFFFFFF  }
0xc1: {  	_ =	task.clear_ibuf [dreg:s7], $0x2FFFF;
	_ =	strace $0x9FFFFFFF  }
0xc2: {  	(tm) =	ssettm $0x7FFFFFFF  }
0xc3: {  	_ =	shalt  }
tec
execute0_lowered:
.L_overlay_start_1:
0x0: {  	(tag) =	ssettag $0x1  }
0x1: {  	s1 =	rddreg [dreg:$0x0]  }
0x2: {  	s0 =	rddreg [dreg:$0x1]  }
0x3: {  	s3 =	simm.s32 $0x0;
	s2 =	srdreg.scid;
	s4 =	stileid.u32  }
0x4: {  	s18 =	simm.s32 $0x9;
	s19 =	simm.s32 $0x80;
	s29 =	simm.s32 $0x6720  }
0x5: {  	s17 =	simm.s32 $0x2D8;
	s30 =	simm.s32 $0x2;
	s31 =	simm.s32 $0x3  }
0x6: {  	s16 =	simm.s32 $0x8;
	[smem:$0x7FF] =	sst s3;
	s2 =	sand.u32 $0x1, s2  }
0x7: {  	s5 =	sshll.u32 s4, $0x1;
	s4 =	sadd.s32 $0xF43C00, s0;
	s20 =	sadd.s32 $0xF43400, s0  }
0x8: {  	s6 =	sadd.s32 $0x1000, s0;
	_ =	strace $0x8000004A;
	s7 =	ssub.s32 $0x2, s2  }
0x9: {  	s2 =	sor.u32 s2, s5;
	[dreg:$0x3] =	wrdreg s20;
	s20 =	simm.s32 $0x320  }
0xa: {  	s5 =	simm.s32 $0x4;
	s21 =	sshrl.u32 s7, $0x1;
	s8 =	smul.u32 $0x1900, s2  }
0xb: {  	s23 =	smul.u32 $0x320, s2;
	s22 =	ssub.s32 s7, s21;
	s7 =	sshll.u32 s2, $0x5  }
0xc: {  	s21 =	simm.s32 $0x48;
	s24 =	sshrl.u32 s8, $0x3;
	s8 =	sadd.s32 $0x258, s8  }
0xd: {  	s9 =	sadd.s32 s1, s23;
	s12 =	sor.u32 $0x4, s7;
	s13 =	sor.u32 $0x5, s7  }
0xe: {  	s14 =	sor.u32 $0x6, s7;
	s15 =	sor.u32 $0x7, s7;
	s0 =	smax.u32 s22, $0x1  }
0xf: {  	s22 =	simm.s32 $0xB920;
	s2 =	sadd.s32 s1, s24;
	s25 =	sshrl.u32 s8, $0x3  }
.Ltmp0:
0x10: {  	[dreg:$0x4] =	wrdreg s9;
	s26 =	sadd.s32 $0x19, s9;
	(pc) =	sbr.rel .LBB2_1-.Ltmp0, $4  }
0x11: {  	[dreg:$0x8] =	wrdreg s0;
	s24 =	simm.s32 $0x3520;
	s0 =	simm.s32 $0x258  }
0x12: {  	s9 =	simm.s32 $0x0;
	[dreg:$0x5] =	wrdreg s26;
	s2 =	sadd.s32 $0x32, s2  }
0x13: {  	s28 =	sadd.s32 s1, s25;
	s25 =	simm.s32 $0x1;
	[dreg:$0x6] =	wrdreg s2  }
0x14: {  	s26 =	simm.s32 $0x40;
	[dreg:$0x7] =	wrdreg s28;
	s2 =	simm.s32 $0x9920  }
.LBB2_12:
0x15: {  	s8 =	simm.s32 $0x5  }
0x16: {  	_ =	swait.ge [sflag:s8], $0x3200  }
0x17: {  	[sflag:s8] =	ssyncset.done $0x0  }
0x18: {  	s11 =	simm.s32 $0x6;
	[sflag:s8] =	ssyncadd.s32 $0xFFFFCE00  }
0x19: {  	_ =	swait.ge [sflag:s11], $0x3200  }
0x1a: {  	[sflag:s11] =	ssyncset.done $0x0  }
0x1b: {  	s23 =	simm.s32 $0x7;
	[sflag:s11] =	ssyncadd.s32 $0xFFFFCE00  }
0x1c: {  	_ =	swait.ge [sflag:s23], $0x3200  }
0x1d: {  	[sflag:s23] =	ssyncset.done $0x0  }
0x1e: {  	[sflag:s23] =	ssyncadd.s32 $0xFFFFCE00  }
0x1f: {  	_ =	swait.ge [sflag:s16], $0x3200  }
0x20: {  	s9 =	rddreg [dreg:$0x9]  }
0x21: {  	s28 =	rddreg [dreg:$0x8];
	s9 =	sadd.s32 $0x1, s9  }
0x22: {  	p0 =	sne.s32 s9, s28  }
.Ltmp1:
0x23: {  	_ = 	snop;
	(pc) =	sbr.rel @!p0 .LBB2_13-.Ltmp1, $3  }
0x24: {  	_ =	sdelay $0x1  }
0x25: {  	[sflag:s16] =	ssyncset.done $0x0  }
0x26: {  	[sflag:s16] =	ssyncadd.s32 $0xFFFFCE00  }
.LBB2_1:
0x27: {  	[dreg:$0x9] =	wrdreg s9  }
0x28: {  	s8 =	rddreg [dreg:$0x3];
	s23 =	simm.s32 $0xCB20  }
0x29: {  	[tilespmem:s23], [sflag:$0x9] =	stream.linear.gather [hbm4b:s8+s3], $0x3200, $0x38;
	[tilespmem:$0xFD20] =	vst v63  }
0x2a: {  	_ =	swait.ge [sflag:s18], $0x3200  }
0x2b: {  	[sflag:s18] =	ssyncset.done $0x0  }
0x2c: {  	s28 =	rddreg [dreg:$0x4];
	[sflag:s18] =	ssyncadd.s32 $0xFFFFCE00  }
0x2d: {  	[tilespmem:s3], [sflag:$0x9] =	stream.linear.gather [hbm4b:s28+s3], $0xC8, $0x38;
	[tilespmem:$0xFD20] =	vst v63  }
0x2e: {  	_ =	swait.ge [sflag:s18], $0xC8  }
0x2f: {  	[sflag:s18] =	ssyncset.done $0x0  }
0x30: {  	[sflag:s18] =	ssyncadd.s32 $0xFFFFFF38  }
0x31: {  	[tilespmem:s20], [sflag:$0x1] =	stream.indirect.gather [hbm4b:s4+s19], $0x40, s3, s19, $0xb8;
	[tilespmem:$0xFD20] =	vst v63  }
0x32: {  	s9 =	simm.s32 $0x2320  }
0x33: {  	[tilespmem:s9], [sflag:$0x1] =	stream.indirect.gather [hbm4b:s4+s21], $0x40, s19, s21, $0xb8;
	[tilespmem:$0xFD20] =	vst v63  }
0x34: {  	s11 =	simm.s32 $0xC8;
	s10 =	rddreg [dreg:$0x5]  }
0x35: {  	[tilespmem:s11], [sflag:$0x9] =	stream.linear.gather [hbm4b:s10+s3], $0xC8, $0x38;
	[tilespmem:$0xFD20] =	vst v63  }
0x36: {  	_ =	swait.ge [sflag:s18], $0xC8  }
0x37: {  	[sflag:s18] =	ssyncset.done $0x0  }
0x38: {  	[sflag:s18] =	ssyncadd.s32 $0xFFFFFF38  }
0x39: {  	[tilespmem:s24], [sflag:$0x2] =	stream.indirect.gather [hbm4b:s4+s19], $0x40, s11, s19, $0xb8;
	[tilespmem:$0xFD20] =	vst v63  }
0x3a: {  	s23 =	simm.s32 $0x148;
	s28 =	simm.s32 $0x5520  }
0x3b: {  	[tilespmem:s28], [sflag:$0x2] =	stream.indirect.gather [hbm4b:s4+s21], $0x40, s23, s21, $0xb8;
	[tilespmem:$0xFD20] =	vst v63  }
0x3c: {  	s10 =	simm.s32 $0x190;
	s9 =	rddreg [dreg:$0x6]  }
0x3d: {  	[tilespmem:s10], [sflag:$0x9] =	stream.linear.gather [hbm4b:s9+s3], $0xC8, $0x38;
	[tilespmem:$0xFD20] =	vst v63  }
0x3e: {  	_ =	swait.ge [sflag:s18], $0xC8  }
0x3f: {  	[sflag:s18] =	ssyncset.done $0x0  }
0x40: {  	[sflag:s18] =	ssyncadd.s32 $0xFFFFFF38  }
0x41: {  	[tilespmem:s29], [sflag:$0x3] =	stream.indirect.gather [hbm4b:s4+s19], $0x40, s10, s19, $0xb8;
	[tilespmem:$0xFD20] =	vst v63  }
0x42: {  	s11 =	simm.s32 $0x210;
	s23 =	simm.s32 $0x8720  }
0x43: {  	[tilespmem:s23], [sflag:$0x3] =	stream.indirect.gather [hbm4b:s4+s21], $0x40, s11, s21, $0xb8;
	[tilespmem:$0xFD20] =	vst v63  }
0x44: {  	s28 =	rddreg [dreg:$0x7]  }
0x45: {  	[tilespmem:s0], [sflag:$0x9] =	stream.linear.gather [hbm4b:s28+s3], $0xC8, $0x38;
	[tilespmem:$0xFD20] =	vst v63  }
0x46: {  	_ =	swait.ge [sflag:s18], $0xC8  }
0x47: {  	[sflag:s18] =	ssyncset.done $0x0  }
0x48: {  	[sflag:s18] =	ssyncadd.s32 $0xFFFFFF38  }
0x49: {  	[tilespmem:s2], [sflag:$0x4] =	stream.indirect.gather [hbm4b:s4+s19], $0x40, s0, s19, $0xb8;
	[tilespmem:$0xFD20] =	vst v63  }
0x4a: {  	s8 =	simm.s32 $0x0  }
0x4b: {  	[tilespmem:s22], [sflag:$0x4] =	stream.indirect.gather [hbm4b:s4+s21], $0x40, s17, s21, $0xb8;
	[tilespmem:$0xFD20] =	vst v63  }
.LBB2_2:
0x4c: {  	_ =	swait.ge [sflag:s25], $0x2000  }
0x4d: {  	[sflag:s25] =	ssyncset.done $0x0  }
0x4e: {  	[sflag:s25] =	ssyncadd.s32 $0xFFFFE000  }
0x4f: {  	_ =	swait.ge [sflag:s25], $0x1200  }
0x50: {  	[sflag:s25] =	ssyncset.done $0x0  }
0x51: {  	s9 =	simm.s32 $0x0;
	[sflag:s25] =	ssyncadd.s32 $0xFFFFEE00  }
0x52: {  	v5 =	vld [tilespmem:s9+$0xCB20]  }
0x53: {  	v6 =	vld [tilespmem:s9+$0xCB30]  }
0x54: {  	v1 =	vld [tilespmem:s9+$0xCB40]  }
0x55: {  	v0 =	vld [tilespmem:s9+$0xCB50]  }
0x56: {  	v3 =	vld [tilespmem:s9+$0x320]  }
0x57: {  	v4 =	vld [tilespmem:s9+$0x330]  }
0x58: {  	s10 =	simm.s32 $0x100;
	v2 =	vld [tilespmem:s9+$0x340]  }
.LBB2_3:
0x59: {  	s11 =	sshra.s32 s10, $0x2;
	p0 =	sne.s32 s10, $0xC700;
	v7 =	vld [tilespmem:s9+$0x350];
	v8 =	vmov v1  }
0x5a: {  	v9 =	vld [tilespmem:s11+$0xCB20];
	v10 =	vmov v0  }
0x5b: {  	v11 =	vld [tilespmem:s11+$0xCB30];
	v3 =	vadd.f32 v5, v3  }
.Ltmp2:
0x5c: {  	v1 =	vld [tilespmem:s11+$0xCB40];
	v4 =	vadd.f32 v6, v4;
	(pc) =	sbr.rel @p0 .LBB2_3-.Ltmp2, $4  }
0x5d: {  	v0 =	vld [tilespmem:s11+$0xCB50];
	[tilespmem:s9+$0x320] =	vst v3;
	v2 =	vadd.f32 v8, v2  }
0x5e: {  	v3 =	vld [tilespmem:s11+$0x320];
	[tilespmem:s9+$0x330] =	vst v4;
	v7 =	vadd.f32 v10, v7  }
0x5f: {  	v4 =	vld [tilespmem:s11+$0x330];
	[tilespmem:s9+$0x340] =	vst v2;
	v5 =	vmov v9  }
0x60: {  	s10 =	sadd.s32 $0x100, s10;
	v2 =	vld [tilespmem:s11+$0x340];
	[tilespmem:s9+$0x350] =	vst v7;
	v6 =	vmov v11;
	s9 =	smov.u32 s11  }
0x61: {  	v7 =	vld [tilespmem:s9+$0x350];
	_ =	sdelay $0x1  }
0x62: {  	v3 =	vadd.f32 v5, v3  }
0x63: {  	s28 =	sshll.u32 s8, $0x2;
	v4 =	vadd.f32 v6, v4  }
0x64: {  	s10 =	sadd.s32 s7, s28;
	[tilespmem:s9+$0x320] =	vst v3;
	v1 =	vadd.f32 v1, v2  }
0x65: {  	s10 =	smul.u32 $0xC80, s10;
	[tilespmem:s9+$0x330] =	vst v4;
	v0 =	vadd.f32 v0, v7  }
0x66: {  	p0 =	seq.s32 s8, $0x7;
	[tilespmem:s9+$0x340] =	vst v1  }
0x67: {  	s23 =	sadd.s32 s6, s10;
	s10 =	sadd.s32 @!p0 s28, s12;
	[tilespmem:s9+$0x350] =	vst v0;
	s9 =	simm.s32 @!p0 $0x5  }
0x68: {  	[hbm4b:s23+s26] =	stream.strided.scatter [tilespmem:s20], [sflag:$0x5], $0x3200, s19, s26, $0x38;
	[tilespmem:$0xFD20] =	vst v63  }
0x69: {  	s10 =	smul.u32 @!p0 $0x19, s10;
	_ =	swait.ge @!p0 [sflag:s9], $0x3200  }
0x6a: {  	[sflag:s9] =	ssyncset.done @!p0 $0x0  }
0x6b: {  	[sflag:s9] =	ssyncadd.s32 @!p0 $0xFFFFCE00;
	s9 =	sadd.s32 @!p0 s1, s10;
	s10 =	simm.s32 @!p0 $0x0  }
0x6c: {  	[tilespmem:s10], [sflag:$0x9] =	stream.linear.gather @!p0 [hbm4b:s9+s10], $0xC8, $0x38;
	[tilespmem:$0xFD20] =	vst v63  }
0x6d: {  	s9 =	simm.s32 @!p0 $0x9  }
0x6e: {  	_ =	swait.ge @!p0 [sflag:s9], $0xC8  }
0x6f: {  	[sflag:s9] =	ssyncset.done @!p0 $0x0  }
0x70: {  	s11 =	simm.s32 @!p0 $0x320;
	[sflag:s9] =	ssyncadd.s32 @!p0 $0xFFFFFF38;
	s9 =	simm.s32 @!p0 $0x80  }
0x71: {  	[tilespmem:s11], [sflag:$0x1] =	stream.indirect.gather @!p0 [hbm4b:s4+s9], $0x40, s10, s9, $0xb8;
	[tilespmem:$0xFD20] =	vst v63  }
0x72: {  	s10 =	simm.s32 @!p0 $0x48;
	s11 =	simm.s32 @!p0 $0x2320  }
0x73: {  	[tilespmem:s11], [sflag:$0x1] =	stream.indirect.gather @!p0 [hbm4b:s4+s10], $0x40, s9, s10, $0xb8;
	[tilespmem:$0xFD20] =	vst v63  }
0x74: {  	_ =	swait.ge [sflag:s30], $0x2000  }
0x75: {  	[sflag:s30] =	ssyncset.done $0x0  }
0x76: {  	[sflag:s30] =	ssyncadd.s32 $0xFFFFE000  }
0x77: {  	_ =	swait.ge [sflag:s30], $0x1200  }
0x78: {  	[sflag:s30] =	ssyncset.done $0x0  }
0x79: {  	s10 =	simm.s32 $0x0;
	[sflag:s30] =	ssyncadd.s32 $0xFFFFEE00  }
0x7a: {  	v5 =	vld [tilespmem:s10+$0xCB20]  }
0x7b: {  	v6 =	vld [tilespmem:s10+$0xCB30]  }
0x7c: {  	v1 =	vld [tilespmem:s10+$0xCB40]  }
0x7d: {  	v0 =	vld [tilespmem:s10+$0xCB50]  }
0x7e: {  	v3 =	vld [tilespmem:s10+$0x3520]  }
0x7f: {  	v4 =	vld [tilespmem:s10+$0x3530]  }
0x80: {  	s9 =	simm.s32 $0x100;
	v2 =	vld [tilespmem:s10+$0x3540]  }
.LBB2_5:
0x81: {  	s11 =	sshra.s32 s9, $0x2;
	p1 =	sne.s32 s9, $0xC700;
	v7 =	vld [tilespmem:s10+$0x3550];
	v8 =	vmov v1  }
0x82: {  	v9 =	vld [tilespmem:s11+$0xCB20];
	v10 =	vmov v0  }
0x83: {  	v11 =	vld [tilespmem:s11+$0xCB30];
	v3 =	vadd.f32 v5, v3  }
.Ltmp3:
0x84: {  	v1 =	vld [tilespmem:s11+$0xCB40];
	v4 =	vadd.f32 v6, v4;
	(pc) =	sbr.rel @p1 .LBB2_5-.Ltmp3, $4  }
0x85: {  	v0 =	vld [tilespmem:s11+$0xCB50];
	[tilespmem:s10+$0x3520] =	vst v3;
	v2 =	vadd.f32 v8, v2  }
0x86: {  	v3 =	vld [tilespmem:s11+$0x3520];
	[tilespmem:s10+$0x3530] =	vst v4;
	v7 =	vadd.f32 v10, v7  }
0x87: {  	v4 =	vld [tilespmem:s11+$0x3530];
	[tilespmem:s10+$0x3540] =	vst v2;
	v5 =	vmov v9  }
0x88: {  	s9 =	sadd.s32 $0x100, s9;
	v2 =	vld [tilespmem:s11+$0x3540];
	[tilespmem:s10+$0x3550] =	vst v7;
	v6 =	vmov v11;
	s10 =	smov.u32 s11  }
0x89: {  	v7 =	vld [tilespmem:s10+$0x3550];
	_ =	sdelay $0x1  }
0x8a: {  	v3 =	vadd.f32 v5, v3  }
0x8b: {  	s9 =	sadd.s32 s28, s7;
	v4 =	vadd.f32 v6, v4  }
0x8c: {  	s9 =	smul.u32 $0xC80, s9;
	[tilespmem:s10+$0x3520] =	vst v3;
	v1 =	vadd.f32 v1, v2  }
0x8d: {  	[tilespmem:s10+$0x3530] =	vst v4;
	v0 =	vadd.f32 v0, v7  }
0x8e: {  	s9 =	sadd.s32 s6, s9;
	[tilespmem:s10+$0x3540] =	vst v1  }
0x8f: {  	s11 =	sadd.s32 @!p0 s28, s13;
	s23 =	sadd.s32 $0xC80, s9;
	[tilespmem:s10+$0x3550] =	vst v0;
	s10 =	simm.s32 @!p0 $0x6  }
0x90: {  	[hbm4b:s23+s26] =	stream.strided.scatter [tilespmem:s24], [sflag:$0x6], $0x3200, s19, s26, $0x38;
	[tilespmem:$0xFD20] =	vst v63  }
0x91: {  	s11 =	smul.u32 @!p0 $0x19, s11;
	_ =	swait.ge @!p0 [sflag:s10], $0x3200  }
0x92: {  	s23 =	simm.s32 @!p0 $0xC8;
	[sflag:s10] =	ssyncset.done @!p0 $0x0  }
0x93: {  	[sflag:s10] =	ssyncadd.s32 @!p0 $0xFFFFCE00;
	s10 =	sadd.s32 @!p0 s1, s11;
	s11 =	simm.s32 @!p0 $0x0  }
0x94: {  	[tilespmem:s23], [sflag:$0x9] =	stream.linear.gather @!p0 [hbm4b:s10+s11], $0xC8, $0x38;
	[tilespmem:$0xFD20] =	vst v63  }
0x95: {  	s10 =	simm.s32 @!p0 $0x9  }
0x96: {  	_ =	swait.ge @!p0 [sflag:s10], $0xC8  }
0x97: {  	[sflag:s10] =	ssyncset.done @!p0 $0x0  }
0x98: {  	s11 =	simm.s32 @!p0 $0x3520;
	[sflag:s10] =	ssyncadd.s32 @!p0 $0xFFFFFF38;
	s10 =	simm.s32 @!p0 $0x80  }
0x99: {  	[tilespmem:s11], [sflag:$0x2] =	stream.indirect.gather @!p0 [hbm4b:s4+s10], $0x40, s23, s10, $0xb8;
	[tilespmem:$0xFD20] =	vst v63  }
0x9a: {  	s10 =	simm.s32 @!p0 $0x48;
	s11 =	simm.s32 @!p0 $0x148;
	s23 =	simm.s32 @!p0 $0x5520  }
0x9b: {  	[tilespmem:s23], [sflag:$0x2] =	stream.indirect.gather @!p0 [hbm4b:s4+s10], $0x40, s11, s10, $0xb8;
	[tilespmem:$0xFD20] =	vst v63  }
0x9c: {  	_ =	swait.ge [sflag:s31], $0x2000  }
0x9d: {  	[sflag:s31] =	ssyncset.done $0x0  }
0x9e: {  	[sflag:s31] =	ssyncadd.s32 $0xFFFFE000  }
0x9f: {  	_ =	swait.ge [sflag:s31], $0x1200  }
0xa0: {  	[sflag:s31] =	ssyncset.done $0x0  }
0xa1: {  	s10 =	simm.s32 $0x0;
	[sflag:s31] =	ssyncadd.s32 $0xFFFFEE00  }
0xa2: {  	v5 =	vld [tilespmem:s10+$0xCB20]  }
0xa3: {  	v6 =	vld [tilespmem:s10+$0xCB30]  }
0xa4: {  	v1 =	vld [tilespmem:s10+$0xCB40]  }
0xa5: {  	v0 =	vld [tilespmem:s10+$0xCB50]  }
0xa6: {  	v2 =	vld [tilespmem:s10+$0x6720]  }
0xa7: {  	v4 =	vld [tilespmem:s10+$0x6730]  }
0xa8: {  	s11 =	simm.s32 $0x100;
	v3 =	vld [tilespmem:s10+$0x6740]  }
.LBB2_7:
0xa9: {  	s23 =	sshra.s32 s11, $0x2;
	p1 =	sne.s32 s11, $0xC700;
	v7 =	vld [tilespmem:s10+$0x6750];
	v8 =	vmov v1  }
0xaa: {  	v9 =	vld [tilespmem:s23+$0xCB20];
	v10 =	vmov v0  }
0xab: {  	v11 =	vld [tilespmem:s23+$0xCB30];
	v2 =	vadd.f32 v5, v2  }
.Ltmp4:
0xac: {  	v1 =	vld [tilespmem:s23+$0xCB40];
	v4 =	vadd.f32 v6, v4;
	(pc) =	sbr.rel @p1 .LBB2_7-.Ltmp4, $4  }
0xad: {  	v0 =	vld [tilespmem:s23+$0xCB50];
	[tilespmem:s10+$0x6720] =	vst v2;
	v3 =	vadd.f32 v8, v3  }
0xae: {  	v2 =	vld [tilespmem:s23+$0x6720];
	[tilespmem:s10+$0x6730] =	vst v4;
	v7 =	vadd.f32 v10, v7  }
0xaf: {  	v4 =	vld [tilespmem:s23+$0x6730];
	[tilespmem:s10+$0x6740] =	vst v3;
	v5 =	vmov v9  }
0xb0: {  	s11 =	sadd.s32 $0x100, s11;
	v3 =	vld [tilespmem:s23+$0x6740];
	[tilespmem:s10+$0x6750] =	vst v7;
	v6 =	vmov v11;
	s10 =	smov.u32 s23  }
0xb1: {  	v7 =	vld [tilespmem:s10+$0x6750];
	_ =	sdelay $0x1  }
0xb2: {  	v2 =	vadd.f32 v5, v2  }
0xb3: {  	v4 =	vadd.f32 v6, v4  }
0xb4: {  	[tilespmem:s10+$0x6720] =	vst v2;
	v1 =	vadd.f32 v1, v3  }
0xb5: {  	[tilespmem:s10+$0x6730] =	vst v4;
	v0 =	vadd.f32 v0, v7  }
0xb6: {  	[tilespmem:s10+$0x6740] =	vst v1  }
0xb7: {  	s23 =	sadd.s32 $0x1900, s9;
	s11 =	sadd.s32 @!p0 s28, s14;
	[tilespmem:s10+$0x6750] =	vst v0;
	s10 =	simm.s32 @!p0 $0x7  }
0xb8: {  	[hbm4b:s23+s26] =	stream.strided.scatter [tilespmem:s29], [sflag:$0x7], $0x3200, s19, s26, $0x38;
	[tilespmem:$0xFD20] =	vst v63  }
0xb9: {  	s11 =	smul.u32 @!p0 $0x19, s11;
	_ =	swait.ge @!p0 [sflag:s10], $0x3200  }
0xba: {  	s23 =	simm.s32 @!p0 $0x190;
	[sflag:s10] =	ssyncset.done @!p0 $0x0  }
0xbb: {  	[sflag:s10] =	ssyncadd.s32 @!p0 $0xFFFFCE00;
	s10 =	sadd.s32 @!p0 s1, s11;
	s11 =	simm.s32 @!p0 $0x0  }
0xbc: {  	[tilespmem:s23], [sflag:$0x9] =	stream.linear.gather @!p0 [hbm4b:s10+s11], $0xC8, $0x38;
	[tilespmem:$0xFD20] =	vst v63  }
0xbd: {  	s10 =	simm.s32 @!p0 $0x9  }
0xbe: {  	_ =	swait.ge @!p0 [sflag:s10], $0xC8  }
0xbf: {  	[sflag:s10] =	ssyncset.done @!p0 $0x0  }
0xc0: {  	s11 =	simm.s32 @!p0 $0x6720;
	[sflag:s10] =	ssyncadd.s32 @!p0 $0xFFFFFF38;
	s10 =	simm.s32 @!p0 $0x80  }
0xc1: {  	[tilespmem:s11], [sflag:$0x3] =	stream.indirect.gather @!p0 [hbm4b:s4+s10], $0x40, s23, s10, $0xb8;
	[tilespmem:$0xFD20] =	vst v63  }
0xc2: {  	s10 =	simm.s32 @!p0 $0x48;
	s11 =	simm.s32 @!p0 $0x210;
	s23 =	simm.s32 @!p0 $0x8720  }
0xc3: {  	[tilespmem:s23], [sflag:$0x3] =	stream.indirect.gather @!p0 [hbm4b:s4+s10], $0x40, s11, s10, $0xb8;
	[tilespmem:$0xFD20] =	vst v63  }
0xc4: {  	_ =	swait.ge [sflag:s5], $0x2000  }
0xc5: {  	[sflag:s5] =	ssyncset.done $0x0  }
0xc6: {  	[sflag:s5] =	ssyncadd.s32 $0xFFFFE000  }
0xc7: {  	_ =	swait.ge [sflag:s5], $0x1200  }
0xc8: {  	[sflag:s5] =	ssyncset.done $0x0  }
0xc9: {  	s10 =	simm.s32 $0x0;
	[sflag:s5] =	ssyncadd.s32 $0xFFFFEE00  }
0xca: {  	v5 =	vld [tilespmem:s10+$0xCB20]  }
0xcb: {  	v6 =	vld [tilespmem:s10+$0xCB30]  }
0xcc: {  	v1 =	vld [tilespmem:s10+$0xCB40]  }
0xcd: {  	v0 =	vld [tilespmem:s10+$0xCB50]  }
0xce: {  	v2 =	vld [tilespmem:s10+$0x9920]  }
0xcf: {  	v4 =	vld [tilespmem:s10+$0x9930]  }
0xd0: {  	s11 =	simm.s32 $0x100;
	v3 =	vld [tilespmem:s10+$0x9940]  }
.LBB2_9:
0xd1: {  	s23 =	sshra.s32 s11, $0x2;
	p1 =	sne.s32 s11, $0xC700;
	v7 =	vld [tilespmem:s10+$0x9950];
	v8 =	vmov v1  }
0xd2: {  	v9 =	vld [tilespmem:s23+$0xCB20];
	v10 =	vmov v0  }
0xd3: {  	v11 =	vld [tilespmem:s23+$0xCB30];
	v2 =	vadd.f32 v5, v2  }
.Ltmp5:
0xd4: {  	v1 =	vld [tilespmem:s23+$0xCB40];
	v4 =	vadd.f32 v6, v4;
	(pc) =	sbr.rel @p1 .LBB2_9-.Ltmp5, $4  }
0xd5: {  	v0 =	vld [tilespmem:s23+$0xCB50];
	[tilespmem:s10+$0x9920] =	vst v2;
	v3 =	vadd.f32 v8, v3  }
0xd6: {  	v2 =	vld [tilespmem:s23+$0x9920];
	[tilespmem:s10+$0x9930] =	vst v4;
	v7 =	vadd.f32 v10, v7  }
0xd7: {  	v4 =	vld [tilespmem:s23+$0x9930];
	[tilespmem:s10+$0x9940] =	vst v3;
	v5 =	vmov v9  }
0xd8: {  	s11 =	sadd.s32 $0x100, s11;
	v3 =	vld [tilespmem:s23+$0x9940];
	[tilespmem:s10+$0x9950] =	vst v7;
	v6 =	vmov v11;
	s10 =	smov.u32 s23  }
0xd9: {  	v7 =	vld [tilespmem:s10+$0x9950];
	_ =	sdelay $0x1  }
0xda: {  	v2 =	vadd.f32 v5, v2  }
0xdb: {  	v4 =	vadd.f32 v6, v4  }
.Ltmp6:
0xdc: {  	[tilespmem:s10+$0x9920] =	vst v2;
	v1 =	vadd.f32 v1, v3;
	(pc) =	sbr.rel @p0 .LBB2_12-.Ltmp6, $4  }
0xdd: {  	[tilespmem:s10+$0x9930] =	vst v4;
	v0 =	vadd.f32 v0, v7  }
0xde: {  	[tilespmem:s10+$0x9940] =	vst v1  }
0xdf: {  	s9 =	sadd.s32 $0x2580, s9;
	[tilespmem:s10+$0x9950] =	vst v0  }
0xe0: {  	[hbm4b:s9+s26] =	stream.strided.scatter [tilespmem:s2], [sflag:$0x8], $0x3200, s19, s26, $0x38;
	[tilespmem:$0xFD20] =	vst v63  }
0xe1: {  	s9 =	sadd.s32 s28, s15  }
0xe2: {  	_ =	swait.ge [sflag:s16], $0x3200;
	s9 =	smul.u32 $0x19, s9  }
0xe3: {  	[sflag:s16] =	ssyncset.done $0x0  }
0xe4: {  	[sflag:s16] =	ssyncadd.s32 $0xFFFFCE00;
	s9 =	sadd.s32 s1, s9  }
0xe5: {  	[tilespmem:s0], [sflag:$0x9] =	stream.linear.gather [hbm4b:s9+s3], $0xC8, $0x38;
	[tilespmem:$0xFD20] =	vst v63  }
0xe6: {  	_ =	swait.ge [sflag:s18], $0xC8  }
.Ltmp7:
0xe7: {  	[sflag:s18] =	ssyncset.done $0x0;
	(pc) =	sbr.rel .LBB2_2-.Ltmp7, $4  }
0xe8: {  	[sflag:s18] =	ssyncadd.s32 $0xFFFFFF38  }
0xe9: {  	[tilespmem:s2], [sflag:$0x4] =	stream.indirect.gather [hbm4b:s4+s19], $0x40, s0, s19, $0xb8;
	[tilespmem:$0xFD20] =	vst v63  }
0xea: {  	s8 =	sadd.s32 $0x1, s8  }
0xeb: {  	[tilespmem:s22], [sflag:$0x4] =	stream.indirect.gather [hbm4b:s4+s21], $0x40, s17, s21, $0xb8;
	[tilespmem:$0xFD20] =	vst v63  }
.LBB2_13:
0xec: {  	_ =	sfence.sel $0x180000  }
0xed: {  	[bflag:$0x0] =	sbarrier.arrive $0xFFFF  }
0xee: {  	_ =	strace $0x9000004A  }
0xef: {  	s0 =	stileid.u32;
	[bflag:$0x2] =	sbarrier.arrive $0xFFFF  }
0xf0: {  	p0 =	sne.s32 s0, $0x0;
	s0 =	rddreg [dreg:$0x2]  }
0xf1: {  	s0 =	sadd.s32 @!p0 $0x100000, s0  }
0xf2: {  	[sflag:s0] =	ssyncadd.tile.s32 @!p0 $0x1;
	_ =	shalt  }
.Lfunc_end2:
_tile_overlayer_lowered:
.L_overlay_start_2:
0xf3: {  	(tag) =	ssettag $0x2  }
0xf4: {  	s0 =	rddreg [dreg:$0x0];
	s2 =	stileid.u32  }
0xf5: {  	s1 =	rddreg [dreg:$0x1];
	p0 =	sne.s32 s2, $0x0  }
0xf6: {  	s3 =	rddreg [dreg:$0x2];
	[bflag:$0x3] =	sbarrier.arrive $0xFFFF;
	s2 =	simm.s32 @!p0 $0x1C09  }
0xf7: {  	[timem:s3], [sflag:s2] =	dma.local @!p0 [hbm:s0], s1  }
0xf8: {  	s0 =	simm.s32 @!p0 $0x9  }
0xf9: {  	_ =	swait.ge @!p0 [sflag:s0], s1  }
0xfa: {  	s1 =	ssub.s32 @!p0 $0x0, s1;
	[sflag:s0] =	ssyncset.done @!p0 $0x0  }
0xfb: {  	[sflag:s0] =	ssyncadd.s32 @!p0 s1  }
0xfc: {  	[bflag:$0x3] =	sbarrier.arrive $0xFFFF  }
0xfd: {  	_ =	shalt  }

// kernel: sparse-core-data-format-call.1.cloned.1.call-start
scs
called_computation.1_lowered:
.L_overlay_start_0:
0x0: {  	s2 =	sld [smem:$0x3FD9]  }
0x1: {  	s3 =	sld [smem:$0x3FFE];
	_ =	sdelay $0x1  }
0x2: {  	s1 =	srdreg.scid  }
0x3: {  	s0 =	sand.u32 $0x1, s1  }
0x4: {  	s18 =	sshll.u32 s0, $0xA;
	s2 =	sadd.s32 s3, s2  }
0x5: {  	s2 =	sadd.s32 s2, s18  }
0x6: {  	[smem:$0x3FC5] =	sst s2  }
0x7: {  	_ = 	snop  }
0x8: {  	s2 =	sld [smem:$0x3FC8];
	(tm) =	ssettm $0x1  }
0x9: {  	s19 =	sld [smem:$0x3FFB];
	_ =	sdelay $0x3  }
0xa: {  	_ =	strace s19  }
0xb: {  	s3 =	sld [smem:$0x3FFC];
	_ =	sdelay $0x3  }
0xc: {  	_ =	strace s3  }
0xd: {  	s3 =	sld [smem:$0x3FFD];
	_ =	sdelay $0x3  }
0xe: {  	_ =	strace s3  }
0xf: {  	_ =	strace $0x8FFFFFFF  }
0x10: {  	s20 =	sld [smem:$0x3FDB];
	_ =	sdelay $0x1  }
0x11: {  	s4 =	simm.s32 $_scs_section_size  }
0x12: {  	s5 =	simm.s32 $_size__tile_overlayer_lowered;
	s6 =	simm.s32 $_tile_overlayer_lowered  }
0x13: {  	s23 =	simm.s32 $0x1BFF;
	s22 =	sshll.u32 s6, $0x1;
	s3 =	sadd.s32 s4, s20  }
0x14: {  	s7 =	simm.s32 $0x0;
	s21 =	sshll.u32 s5, $0x1;
	s5 =	sadd.s32 s22, s3  }
0x15: {  	[timem:s7], [sflag:s23] =	dma.local [hbm:s5], s21  }
0x16: {  	_ =	swait.ge [sflag:s23], s21  }
0x17: {  	s4 =	ssub.s32 $0x0, s21;
	[sflag:s23] =	ssyncset.done $0x0  }
0x18: {  	[sflag:s23] =	ssyncadd.s32 s4;
	_ =	sdelay $0x1  }
0x19: {  	s24 =	simm.s32 $0x1B8B  }
0x1a: {  	_ =	swait.ge [sflag:s24], $0x1  }
0x1b: {  	[sflag:s24] =	ssyncset.done $0x0  }
0x1c: {  	s26 =	simm.s32 $0x1B8E;
	s25 =	sld [smem:$0x3FFE];
	[sflag:s24] =	ssyncadd.s32 $0xFFFFFFFF  }
0x1d: {  	s27 =	simm.s32 $execute0_lowered;
	[smem:$0x3FD2] =	sst s26  }
0x1e: {  	s5 =	sshll.u32 s27, $0x1;
	_ =	strace $0x80000046;
	[dreg:$0x1] =	wrdreg $0xFFFFFFFF  }
0x1f: {  	s28 =	simm.s32 $_size_execute0_lowered;
	s3 =	sadd.s32 s3, s5;
	[dreg:$0x0] =	wrdreg $0x0  }
0x20: {  	s5 =	sshll.u32 s28, $0x1;
	[dreg:$0x2] =	wrdreg s3  }
0x21: {  	[dreg:$0x3] =	wrdreg s5  }
0x22: {  	[dreg:$0x4] =	wrdreg $0xC0  }
0x23: {  	_ =	task [dreg:s7], $0x5FFFF  }
0x24: {  	[dreg:$0x1] =	wrdreg $0xFFFFFFFF  }
0x25: {  	[dreg:$0x0] =	wrdreg $0x60  }
0x26: {  	[dreg:$0x2] =	wrdreg s2  }
0x27: {  	[dreg:$0x3] =	wrdreg s25  }
0x28: {  	[dreg:$0x4] =	wrdreg $0x9  }
0x29: {  	_ =	task.clear_ibuf [dreg:s7], $0x5FFFF;
	_ =	strace $0x90000046  }
0x2a: {  	s29 =	simm.s32 $0x9;
	_ =	strace $0x80000048  }
0x2b: {  	_ =	swait.ge [sflag:s29], $0x1  }
0x2c: {  	[sflag:s29] =	ssyncadd.s32 $0xFFFFFFFF  }
0x2d: {  	_ =	strace $0x90000048  }
0x2e: {  	_ =	sfence  }
0x2f: {  	s30 =	sld [smem:$0x0];
	_ =	sdelay $0x2  }
0x30: {  	s31 =	sshll.u32 s1, $0xD;
	s1 =	sshrl.u32 s1, $0x2  }
0x31: {  	s3 =	sand.u32 $0x4000, s31;
	s1 =	sadd.s32 s1, s30  }
0x32: {  	s0 =	sor.u32 s3, s0;
	s1 =	sshll.u32 s1, $0x11  }
0x33: {  	s0 =	sor.u32 s1, s0  }
0x34: {  	s0 =	sadd.s32 $0x8F2B, s0  }
0x35: {  	[sflag:s0] =	ssyncadd.remote.s32 $0x1  }
0x36: {  	_ =	sfence.sel $0xFFFF  }
0x37: {  	[dreg:$0x0] =	wrdreg $0xFFFFFFFF;
	(pc) =	sbr.abs _section_cstart, $3  }
0x38: {  	[dreg:$0x1] =	wrdreg $0xFFFFFFFF  }
0x39: {  	_ =	task.clear_ibuf [dreg:s7], $0x2FFFF;
	_ =	strace $0x9FFFFFFF  }
0x3a: {  	(tm) =	ssettm $0x7FFFFFFF  }
0x3b: {  	_ =	shalt  }
tec
execute0_lowered:
.L_overlay_start_1:
0x0: {  	(tag) =	ssettag $0x1  }
0x1: {  	s0 =	srdreg.scid;
	s2 =	rddreg [dreg:$0x0]  }
0x2: {  	s5 =	rddreg [dreg:$0x1];
	s1 =	stileid.u32  }
0x3: {  	s4 =	simm.s32 $0x1;
	s6 =	simm.s32 $0x2;
	s15 =	simm.s32 $0x0  }
0x4: {  	p0 =	por $0x0, $0x0;
	s8 =	simm.s32 $0x80;
	s0 =	sshll.u32 s0, $0x4  }
0x5: {  	s14 =	simm.s32 $0x0;
	s9 =	simm.s32 $0x0;
	s3 =	sand.u32 $0x10, s0  }
.Ltmp0:
0x6: {  	s10 =	simm.s32 $0x0;
	s3 =	sor.u32 s1, s3;
	(pc) =	sbr.rel .LBB1_1-.Ltmp0, $4  }
0x7: {  	s0 =	rddreg [dreg:$0x2];
	_ =	strace $0x80000047;
	s3 =	sshll.u32 s3, $0x7  }
0x8: {  	s12 =	simm.s32 $0x0;
	[sflag:s4] =	ssyncpa.u1 $0x0;
	s7 =	ssub.s32 $0xF4200, s3  }
0x9: {  	s13 =	simm.s32 $0x0;
	[sflag:s6] =	ssyncpa.u1 $0x0;
	s6 =	sshrl.u32 s7, $0xC  }
0xa: {  	s5 =	sadd.s32 $0x1000, s5;
	s11 =	smov.u32 s3;
	s7 =	sadd.s32 $0x2, s6  }
.LBB1_5:
0xb: {  	p1 =	slt.u32 s13, $0x2  }
0xc: {  	s17 =	smov.u32 s15;
	p2 =	sgt.s32 @!p1 s15, $0xF41C0;
	s16 =	sshra.s32 @!p1 s15, $0x1F  }
0xd: {  	p3 =	sgt.s32 @!p1 s14, $0x40;
	s18 =	sshra.s32 @!p1 s14, $0x1F;
	p2 =	por !p2, p1  }
0xe: {  	s15 =	sand.u32 @!p1 s16, s15;
	p3 =	por !p3, p1;
	s16 =	smov.u32 s14  }
0xf: {  	s14 =	sand.u32 @!p1 s18, s14;
	s17 =	simm.s32 @p2 $0xF41C0;
	s16 =	simm.s32 @p3 $0x40  }
0x10: {  	s15 =	ssub.s32 @!p1 s17, s15;
	s14 =	ssub.s32 @!p1 s16, s14  }
0x11: {  	s18 =	smov.u32 s12;
	s16 =	sadd.s32 @!p1 $0xFFF0BE40, s15;
	s17 =	sadd.s32 @!p1 $0xFFFFFFC0, s14  }
0x12: {  	s15 =	ssub.s32 @!p1 $0xF4240, s15;
	p2 =	sgt.s32 @!p1 s16, $0x7F;
	p3 =	sgt.s32 @!p1 s17, $0x3F  }
0x13: {  	s14 =	ssub.s32 @!p1 $0x80, s14;
	p2 =	por !p2, p1;
	p3 =	por !p3, p1  }
0x14: {  	s16 =	sadd.s32 $0x1000, s11;
	s15 =	simm.s32 @!p2 $0x0;
	s14 =	simm.s32 @!p3 $0x0  }
0x15: {  	p2 =	sgt.s32 s16, $0xF423F;
	s14 =	smul.u32 @!p1 s14, s15;
	s15 =	sadd.s32 $0x40, s12  }
0x16: {  	s18 =	smov.u32 @p2 s15  }
0x17: {  	s16 =	smov.u32 @p2 s3;
	p2 =	sgt.s32 s18, $0x3F  }
0x18: {  	s18 =	simm.s32 @p2 $0x0;
	p2 =	sne.s32 s13, s7  }
.Ltmp1:
0x19: {  	p0 =	por !p0, !p0;
	s17 =	simm.s32 @!p1 $0x2;
	(pc) =	sbr.rel @!p2 .LBB1_6-.Ltmp1, $4  }
0x1a: {  	s15 =	smov.u32 s9;
	s9 =	smov.u32 s11;
	s14 =	sand.u32 @!p1 $0x3FFFFFFF, s14  }
0x1b: {  	s11 =	smov.u32 s16;
	_ =	swait.ge @!p1 [sflag:s17], s14;
	s19 =	ssub.s32 @!p1 $0x0, s14  }
0x1c: {  	s14 =	smov.u32 s10;
	s13 =	sadd.s32 $0x1, s13;
	[sflag:s17] =	ssyncset.done @!p1 $0x0  }
0x1d: {  	s10 =	smov.u32 s12;
	s12 =	smov.u32 s18;
	[sflag:s17] =	ssyncadd.s32 @!p1 s19  }
.LBB1_1:
0x1e: {  	p1 =	sgt.u32 s13, s6  }
0x1f: {  	s16 =	sshrl.u32 @!p1 s12, $0x3  }
0x20: {  	s17 =	sshll.u32 @!p1 s11, $0x3;
	s16 =	smul.u32 @!p1 $0x7A1400, s16  }
0x21: {  	s18 =	sshll.u32 @!p1 s12, $0x7;
	s17 =	sand.u32 @!p1 $0xFFFFFC00, s17  }
0x22: {  	s16 =	sadd.s32 @!p1 s16, s17;
	s17 =	sand.u32 @!p1 $0x380, s18  }
0x23: {  	s18 =	sand.u32 @!p1 $0x7F, s11;
	s16 =	sor.u32 @!p1 s17, s16  }
0x24: {  	s17 =	sor.u32 @!p1 s18, s16  }
0x25: {  	s18 =	smulhi.u32 @!p1 $0x218D6287, s17;
	_ =	sdelay $0x1  }
0x26: {  	s16 =	smulhi.u32 @!p1 $0x218D6287, s16;
	s18 =	sshrl.u32 @!p1 s18, $0x11  }
0x27: {  	s18 =	smul.u32 @!p1 $0xF4280, s18  }
0x28: {  	s19 =	sxor.u32 @!p1 $0xFFFFFFFF, s13;
	s16 =	sshrl.u32 @!p1 s16, $0x11  }
0x29: {  	s19 =	sshll.u32 @!p1 s19, $0xD;
	s16 =	sand.u32 @!p1 $0x3F, s16;
	s17 =	ssub.s32 @!p1 s17, s18  }
0x2a: {  	s16 =	smul.u32 @!p1 $0x1E850, s16;
	s18 =	sshrl.u32 @!p1 s17, $0x3;
	s17 =	sand.u32 @!p1 $0x7, s17  }
0x2b: {  	s19 =	sand.u32 @!p1 $0x2000, s19;
	s18 =	sadd.s32 @!p1 s2, s18;
	s17 =	sshll.u32 @!p1 s17, $0x12  }
0x2c: {  	s16 =	sadd.s32 @!p1 s16, s18;
	s17 =	sor.u32 @!p1 $0x400, s17;
	s18 =	simm.s32 @!p1 $0x7A1400  }
0x2d: {  	[tilespmem:s19], [sflag:$0x1] =	stream.strided.gather @!p1 [hbm4b:s16+s17], $0x2000, s18, s17, $0x38;
	[tilespmem:$0x8100] =	vst v63  }
0x2e: {  	p1 =	seq.s32 s13, $0x0  }
0x2f: {  	p2 =	sge.u32 @!p1 s13, s7  }
0x30: {  	p1 =	por p1, p2  }
.Ltmp2:
0x31: {  	_ = 	snop;
	(pc) =	sbr.rel @p1 .LBB1_5-.Ltmp2, $1  }
0x32: {  	_ =	sdelay $0x3  }
0x33: {  	s16 =	simm.s32 $0x1  }
0x34: {  	_ =	swait.ge [sflag:s4], $0x2000;
	s16 =	simm.s32 @!p0 $0x0  }
0x35: {  	[sflag:s4] =	ssyncset.done $0x0;
	s17 =	sshll.u32 s16, $0xD  }
0x36: {  	[sflag:s4] =	ssyncadd.s32 $0xFFFFE000;
	s17 =	sor.u32 $0x40, s17  }
0x37: {  	s16 =	smul.u32 $0x8200, s16;
	v0 =	vld [tilespmem:s17+$0x30]  }
0x38: {  	v1 =	vld [tilespmem:s17+$0xFFFFFFD0]  }
0x39: {  	s16 =	sshrl.u32 s16, $0x2;
	v5 =	vld [tilespmem:s17+$0xFFFFFFE0]  }
0x3a: {  	v6 =	vld [tilespmem:s17+$0xFFFFFFF0];
	s19 =	sor.u32 $0x4000, s16  }
0x3b: {  	s31 =	sand.u32 $0x1, s13;
	v4 =	vld [tilespmem:s17+$0x0];
	s18 =	sadd.s32 $0x0, s19  }
0x3c: {  	v3 =	vld [tilespmem:s17+$0x10];
	s16 =	smul.u32 $0x8200, s31;
	[tilespmem:s18+$0x1C70 ss:$0x41] =	vst.msk $0xffff, v0  }
0x3d: {  	v2 =	vld [tilespmem:s17+$0x20];
	[tilespmem:s18+$0x410 ss:$0x41] =	vst.msk $0xffff, v1  }
0x3e: {  	s16 =	sshrl.u32 s16, $0x2;
	v1 =	vld [tilespmem:s17+$0xFFFFFFC0];
	[tilespmem:s18+$0x820 ss:$0x41] =	vst.msk $0xffff, v5;
	s17 =	sadd.s32 $0x80, s17  }
0x3f: {  	s20 =	simm.s32 $0x4;
	s21 =	simm.s32 $0x8;
	s16 =	sor.u32 $0x4000, s16;
	[tilespmem:s18+$0xC30 ss:$0x41] =	vst.msk $0xffff, v6;
	v0 =	vld [tilespmem:s17+$0x30]  }
.LBB1_3:
0x40: {  	p1 =	sne.s32 s21, $0xFC;
	v5 =	vld [tilespmem:s17+$0xFFFFFFD0];
	[tilespmem:s18+$0x1040 ss:$0x41] =	vst.msk $0xffff, v4  }
0x41: {  	v6 =	vld [tilespmem:s17+$0xFFFFFFE0];
	[tilespmem:s18+$0x1450 ss:$0x41] =	vst.msk $0xffff, v3  }
0x42: {  	s22 =	sshra.s32 s20, $0x2;
	s20 =	smov.u32 s21;
	v7 =	vld [tilespmem:s17+$0xFFFFFFF0];
	[tilespmem:s18+$0x1860 ss:$0x41] =	vst.msk $0xffff, v2  }
.Ltmp3:
0x43: {  	v4 =	vld [tilespmem:s17+$0x0];
	[tilespmem:s18+$0x0 ss:$0x41] =	vst.msk $0xffff, v1;
	s18 =	sadd.s32 s22, s19;
	(pc) =	sbr.rel @p1 .LBB1_3-.Ltmp3, $4  }
0x44: {  	v3 =	vld [tilespmem:s17+$0x10];
	[tilespmem:s18+$0x1C70 ss:$0x41] =	vst.msk $0xffff, v0  }
0x45: {  	[tilespmem:s18+$0x410 ss:$0x41] =	vst.msk $0xffff, v5;
	v2 =	vld [tilespmem:s17+$0x20]  }
0x46: {  	v1 =	vld [tilespmem:s17+$0xFFFFFFC0];
	[tilespmem:s18+$0x820 ss:$0x41] =	vst.msk $0xffff, v6;
	s17 =	sadd.s32 $0x80, s17  }
0x47: {  	s21 =	sadd.s32 $0x4, s21;
	v0 =	vld [tilespmem:s17+$0x30];
	[tilespmem:s18+$0xC30 ss:$0x41] =	vst.msk $0xffff, v7  }
0x48: {  	s21 =	sshll.u32 s9, $0x7;
	s22 =	sshll.u32 s10, $0x3;
	s20 =	sshra.s32 s20, $0x2  }
0x49: {  	p1 =	sgt.s32 s9, $0xF41C0;
	s30 =	sshra.s32 s9, $0x1F;
	s25 =	sshra.s32 s10, $0x1F  }
0x4a: {  	v5 =	vld [tilespmem:s17+$0xFFFFFFD0];
	s28 =	sshrl.u32 s10, $0x3;
	s23 =	sand.u32 $0xFFFFFC00, s21;
	s22 =	sand.u32 $0xFFFFFC00, s22  }
0x4b: {  	[tilespmem:s18+$0x1040 ss:$0x41] =	vst.msk $0xffff, v4;
	v58 =	vld [tilespmem:s17+$0xFFFFFFE0];
	s21 =	sand.u32 $0x380, s21;
	s19 =	sadd.s32 s20, s19;
	s22 =	sadd.s32 s22, s23  }
0x4c: {  	v59 =	vld [tilespmem:s17+$0xFFFFFFF0];
	[tilespmem:s18+$0x1450 ss:$0x41] =	vst.msk $0xffff, v3;
	s29 =	sor.u32 s21, s22;
	s21 =	smov.u32 s9;
	s22 =	sand.u32 s30, s9  }
0x4d: {  	v60 =	vld [tilespmem:s17+$0x0];
	[tilespmem:s18+$0x1860 ss:$0x41] =	vst.msk $0xffff, v2;
	s30 =	sand.u32 $0x7, s10;
	s20 =	sshrl.u32 s29, $0x7;
	s21 =	simm.s32 @!p1 $0xF41C0  }
0x4e: {  	v61 =	vld [tilespmem:s17+$0x10];
	[tilespmem:s18+$0x0 ss:$0x41] =	vst.msk $0xffff, v1;
	p1 =	sgt.s32 s10, $0x40;
	s24 =	ssub.s32 s21, s22;
	s21 =	smov.u32 s10  }
0x4f: {  	v62 =	vld [tilespmem:s17+$0x20];
	[tilespmem:s19+$0x1C70 ss:$0x41] =	vst.msk $0xffff, v0;
	s31 =	smulhi.u32 $0x218DEF5, s20;
	s22 =	sand.u32 s25, s10;
	s21 =	simm.s32 @!p1 $0x40  }
0x50: {  	v63 =	vld [tilespmem:s17+$0xFFFFFFC0];
	[tilespmem:s19+$0x410 ss:$0x41] =	vst.msk $0xffff, v5;
	s26 =	sadd.s32 $0xFFF0BE40, s24;
	s17 =	ssub.s32 $0xF4240, s24;
	s21 =	ssub.s32 s21, s22  }
0x51: {  	[tilespmem:s19+$0x820 ss:$0x41] =	vst.msk $0xffff, v58;
	s23 =	sshrl.u32 s31, $0xD;
	p1 =	sgt.s32 s26, $0x7F;
	s27 =	sadd.s32 $0xFFFFFFC0, s21  }
0x52: {  	[tilespmem:s19+$0xC30 ss:$0x41] =	vst.msk $0xffff, v59;
	s23 =	smul.u32 $0xF4240, s23;
	s18 =	ssub.s32 $0x80, s21;
	p2 =	sgt.s32 s27, $0x3F  }
.Ltmp4:
0x53: {  	[tilespmem:s19+$0x1040 ss:$0x41] =	vst.msk $0xffff, v60;
	s17 =	simm.s32 @p1 $0x0;
	s18 =	simm.s32 @p2 $0x0;
	(pc) =	sbr.rel .LBB1_5-.Ltmp4, $4  }
0x54: {  	s29 =	sand.u32 $0xF, s28;
	[tilespmem:s19+$0x1450 ss:$0x41] =	vst.msk $0xffff, v61;
	s20 =	ssub.s32 s20, s23;
	s17 =	smul.u32 s18, s17  }
0x55: {  	[tilespmem:s19+$0x1860 ss:$0x41] =	vst.msk $0xffff, v62;
	s21 =	sshll.u32 s30, $0x12;
	s20 =	sshll.u32 s20, $0x4;
	s18 =	sadd.s32 s5, s29  }
0x56: {  	[tilespmem:s19+$0x0 ss:$0x41] =	vst.msk $0xffff, v63;
	s31 =	sor.u32 $0x40, s21;
	s18 =	sadd.s32 s20, s18;
	s17 =	sand.u32 $0x3FFFFFFF, s17  }
0x57: {  	[hbm4b:s18+s31] =	stream.strided.scatter [tilespmem:s16], [sflag:$0x2], s17, s8, s31, $0x18;
	[tilespmem:$0x8100] =	vst v63  }
.LBB1_6:
0x58: {  	_ =	sfence.sel $0x180000  }
0x59: {  	s2 =	simm.s32 $0x1;
	[bflag:$0x0] =	sbarrier.arrive $0xFFFF  }
0x5a: {  	s31 =	simm.s32 $0x2;
	[sflag:s2] =	ssyncpa.u1 $0x1  }
0x5b: {  	[sflag:s31] =	ssyncpa.u1 $0x1  }
0x5c: {  	p0 =	sne.s32 s1, $0x0;
	_ =	strace $0x90000047  }
0x5d: {  	s0 =	sadd.s32 @!p0 $0x100000, s0;
	[bflag:$0x2] =	sbarrier.arrive $0xFFFF  }
0x5e: {  	[sflag:s0] =	ssyncadd.tile.s32 @!p0 $0x1;
	_ =	shalt  }
.Lfunc_end1:
_tile_overlayer_lowered:
.L_overlay_start_2:
0x5f: {  	(tag) =	ssettag $0x2  }
0x60: {  	s0 =	rddreg [dreg:$0x0];
	s2 =	stileid.u32  }
0x61: {  	s1 =	rddreg [dreg:$0x1];
	p0 =	sne.s32 s2, $0x0  }
0x62: {  	s3 =	rddreg [dreg:$0x2];
	[bflag:$0x3] =	sbarrier.arrive $0xFFFF;
	s2 =	simm.s32 @!p0 $0x1C01  }
0x63: {  	[timem:s3], [sflag:s2] =	dma.local @!p0 [hbm:s0], s1  }
0x64: {  	s0 =	simm.s32 @!p0 $0x1  }
0x65: {  	_ =	swait.ge @!p0 [sflag:s0], s1  }
0x66: {  	s1 =	ssub.s32 @!p0 $0x0, s1;
	[sflag:s0] =	ssyncset.done @!p0 $0x0  }
0x67: {  	[sflag:s0] =	ssyncadd.s32 @!p0 s1  }
0x68: {  	[bflag:$0x3] =	sbarrier.arrive $0xFFFF  }
0x69: {  	_ =	shalt  }

// kernel: sparse-core-data-format-call.cloned.1.call-start
scs
called_computation_lowered:
.L_overlay_start_0:
0x0: {  	s2 =	sld [smem:$0x3FD9]  }
0x1: {  	s3 =	sld [smem:$0x3FFE];
	_ =	sdelay $0x1  }
0x2: {  	s1 =	srdreg.scid  }
0x3: {  	s0 =	sand.u32 $0x1, s1  }
0x4: {  	s18 =	sshll.u32 s0, $0xA;
	s2 =	sadd.s32 s3, s2  }
0x5: {  	s2 =	sadd.s32 s2, s18  }
0x6: {  	[smem:$0x3FC5] =	sst s2  }
0x7: {  	_ = 	snop  }
0x8: {  	s2 =	sld [smem:$0x3FD0];
	(tm) =	ssettm $0x1  }
0x9: {  	s19 =	sld [smem:$0x3FFB];
	_ =	sdelay $0x3  }
0xa: {  	_ =	strace s19  }
0xb: {  	s3 =	sld [smem:$0x3FFC];
	_ =	sdelay $0x3  }
0xc: {  	_ =	strace s3  }
0xd: {  	s3 =	sld [smem:$0x3FFD];
	_ =	sdelay $0x3  }
0xe: {  	_ =	strace s3  }
0xf: {  	_ =	strace $0x8FFFFFFF  }
0x10: {  	s20 =	sld [smem:$0x3FDB];
	_ =	sdelay $0x1  }
0x11: {  	s4 =	simm.s32 $_scs_section_size  }
0x12: {  	s5 =	simm.s32 $_size__tile_overlayer_lowered;
	s6 =	simm.s32 $_tile_overlayer_lowered  }
0x13: {  	s23 =	simm.s32 $0x1BFF;
	s22 =	sshll.u32 s6, $0x1;
	s3 =	sadd.s32 s4, s20  }
0x14: {  	s7 =	simm.s32 $0x0;
	s21 =	sshll.u32 s5, $0x1;
	s5 =	sadd.s32 s22, s3  }
0x15: {  	[timem:s7], [sflag:s23] =	dma.local [hbm:s5], s21  }
0x16: {  	_ =	swait.ge [sflag:s23], s21  }
0x17: {  	s4 =	ssub.s32 $0x0, s21;
	[sflag:s23] =	ssyncset.done $0x0  }
0x18: {  	[sflag:s23] =	ssyncadd.s32 s4;
	_ =	sdelay $0x1  }
0x19: {  	s24 =	simm.s32 $0x1B8B  }
0x1a: {  	_ =	swait.ge [sflag:s24], $0x1  }
0x1b: {  	[sflag:s24] =	ssyncset.done $0x0  }
0x1c: {  	s26 =	simm.s32 $0x1B8E;
	s25 =	sld [smem:$0x3FFE];
	[sflag:s24] =	ssyncadd.s32 $0xFFFFFFFF  }
0x1d: {  	s27 =	simm.s32 $execute0_lowered;
	[smem:$0x3FD2] =	sst s26  }
0x1e: {  	s5 =	sshll.u32 s27, $0x1;
	_ =	strace $0x8000004C;
	[dreg:$0x1] =	wrdreg $0xFFFFFFFF  }
0x1f: {  	s28 =	simm.s32 $_size_execute0_lowered;
	s3 =	sadd.s32 s3, s5;
	[dreg:$0x0] =	wrdreg $0x0  }
0x20: {  	s5 =	sshll.u32 s28, $0x1;
	[dreg:$0x2] =	wrdreg s3  }
0x21: {  	[dreg:$0x3] =	wrdreg s5  }
0x22: {  	[dreg:$0x4] =	wrdreg $0xC0  }
0x23: {  	_ =	task [dreg:s7], $0x5FFFF  }
0x24: {  	[dreg:$0x1] =	wrdreg $0xFFFFFFFF  }
0x25: {  	[dreg:$0x0] =	wrdreg $0x60  }
0x26: {  	[dreg:$0x2] =	wrdreg s25  }
0x27: {  	[dreg:$0x3] =	wrdreg s2  }
0x28: {  	[dreg:$0x4] =	wrdreg $0x9  }
0x29: {  	_ =	task.clear_ibuf [dreg:s7], $0x5FFFF;
	_ =	strace $0x9000004C  }
0x2a: {  	s29 =	simm.s32 $0x9;
	_ =	strace $0x8000004E  }
0x2b: {  	_ =	swait.ge [sflag:s29], $0x1  }
0x2c: {  	[sflag:s29] =	ssyncadd.s32 $0xFFFFFFFF  }
0x2d: {  	_ =	strace $0x9000004E  }
0x2e: {  	_ =	sfence  }
0x2f: {  	s30 =	sld [smem:$0x0];
	_ =	sdelay $0x2  }
0x30: {  	s31 =	sshll.u32 s1, $0xD;
	s1 =	sshrl.u32 s1, $0x2  }
0x31: {  	s3 =	sand.u32 $0x4000, s31;
	s1 =	sadd.s32 s1, s30  }
0x32: {  	s0 =	sor.u32 s3, s0;
	s1 =	sshll.u32 s1, $0x11  }
0x33: {  	s0 =	sor.u32 s1, s0  }
0x34: {  	s0 =	sadd.s32 $0x8F2B, s0  }
0x35: {  	[sflag:s0] =	ssyncadd.remote.s32 $0x1  }
0x36: {  	_ =	sfence.sel $0xFFFF  }
0x37: {  	[dreg:$0x0] =	wrdreg $0xFFFFFFFF;
	(pc) =	sbr.abs _section_cstart, $3  }
0x38: {  	[dreg:$0x1] =	wrdreg $0xFFFFFFFF  }
0x39: {  	_ =	task.clear_ibuf [dreg:s7], $0x2FFFF;
	_ =	strace $0x9FFFFFFF  }
0x3a: {  	(tm) =	ssettm $0x7FFFFFFF  }
0x3b: {  	_ =	shalt  }
tec
execute0_lowered:
.L_overlay_start_1:
0x0: {  	(tag) =	ssettag $0x1  }
0x1: {  	s0 =	stileid.u32;
	s6 =	rddreg [dreg:$0x0]  }
0x2: {  	s2 =	rddreg [dreg:$0x1];
	s5 =	srdreg.scid  }
0x3: {  	s31 =	simm.s32 $0x2;
	s13 =	simm.s32 $0x0;
	s1 =	sshll.u32 s0, $0x7  }
0x4: {  	s14 =	simm.s32 $0x0;
	s12 =	simm.s32 $0x0;
	s3 =	sand.u32 $0x380, s1  }
0x5: {  	s5 =	sshll.u32 s5, $0x4;
	s6 =	sadd.s32 $0x1000, s6;
	s4 =	ssub.s32 $0x400, s3  }
0x6: {  	s1 =	rddreg [dreg:$0x2];
	_ =	strace $0x8000004D;
	s7 =	sand.u32 $0x380, s4  }
0x7: {  	s5 =	sand.u32 $0x10, s5;
	p0 =	sne.s32 s7, $0x0;
	s7 =	simm.s32 $0x1  }
.Ltmp0:
0x8: {  	s8 =	sshrl.u32 s4, $0xA;
	s7 =	simm.s32 @!p0 $0x0;
	(pc) =	sbr.rel .LBB1_1-.Ltmp0, $4  }
0x9: {  	s9 =	sor.u32 s0, s5;
	s4 =	simm.s32 $0x1;
	s30 =	sadd.s32 s7, s8  }
0xa: {  	s11 =	smov.u32 s3;
	[sflag:s4] =	ssyncpa.u1 $0x0;
	s5 =	smul.u32 $0x32, s30  }
0xb: {  	[sflag:s31] =	ssyncpa.u1 $0x0;
	p0 =	por $0x0, $0x0;
	s7 =	sshrl.u32 s9, $0x3  }
0xc: {  	s9 =	simm.s32 $0x2000;
	s10 =	smov.u32 s7;
	s8 =	sor.u32 $0x1, s5  }
.LBB1_4:
0xd: {  	s17 =	sand.u32 $0x1F80, s14;
	s13 =	sshll.u32 s13, $0xD  }
0xe: {  	[tilespmem:s16+$0x810 ss:$0x81] =	vst.msk $0xffff, v2;
	s18 =	sshrl.u32 s14, $0x3;
	s31 =	sand.u32 $0x7, s14;
	s17 =	sadd.s32 s2, s17  }
0xf: {  	[tilespmem:s16+$0x1020 ss:$0x81] =	vst.msk $0xffff, v0;
	s18 =	sand.u32 $0xF, s18;
	s14 =	sshll.u32 s31, $0x12;
	s13 =	sadd.s32 s13, s17  }
0x10: {  	[tilespmem:s16+$0x0 ss:$0x81] =	vst.msk $0xffff, v1;
	s14 =	sor.u32 $0x400, s14;
	s13 =	sadd.s32 s18, s13  }
0x11: {  	[hbm4b:s13+s14] =	stream.strided.scatter [tilespmem:s15], [sflag:$0x2], $0x2000, s9, s14, $0x20;
	[tilespmem:$0x8080] =	vst v63  }
.LBB1_5:
0x12: {  	s15 =	sadd.s32 $0x4, s10  }
0x13: {  	s13 =	sadd.s32 $0x400, s11;
	s17 =	smov.u32 s11;
	p2 =	sgt.s32 s15, $0xC7  }
0x14: {  	s17 =	smov.u32 @p2 s13  }
0x15: {  	s15 =	smov.u32 @p2 s7;
	p2 =	sgt.s32 s17, $0x3FF  }
0x16: {  	s17 =	smov.u32 @p2 s3;
	p2 =	sne.s32 s12, s8  }
.Ltmp1:
0x17: {  	p1 =	slt.u32 s12, $0x2;
	(pc) =	sbr.rel @!p2 .LBB1_6-.Ltmp1, $4  }
0x18: {  	s16 =	simm.s32 @!p1 $0x2  }
0x19: {  	s14 =	smov.u32 s11;
	p0 =	por !p0, !p0;
	_ =	swait.ge @!p1 [sflag:s16], $0x2000  }
0x1a: {  	s13 =	smov.u32 s10;
	[sflag:s16] =	ssyncset.done @!p1 $0x0;
	s10 =	smov.u32 s15  }
0x1b: {  	s12 =	sadd.s32 $0x1, s12;
	[sflag:s16] =	ssyncadd.s32 @!p1 $0xFFFFE000;
	s11 =	smov.u32 s17  }
.LBB1_1:
0x1c: {  	p1 =	sge.u32 s12, s5  }
0x1d: {  	s15 =	sand.u32 @!p1 $0x1FFFFFF, s10  }
0x1e: {  	s16 =	smulhi.u32 @!p1 $0x147AE15, s15;
	_ =	sdelay $0x1  }
0x1f: {  	s16 =	smul.u32 @!p1 $0xC8, s16  }
0x20: {  	s17 =	sxor.u32 @!p1 $0xFFFFFFFF, s12;
	s18 =	smul.u32 @!p1 $0xC80, s11  }
0x21: {  	s31 =	sadd.s32 $0xFFFFFFFF, s12;
	s17 =	sshll.u32 @!p1 s17, $0xD;
	s15 =	ssub.s32 @!p1 s15, s16  }
0x22: {  	s16 =	sand.u32 @!p1 $0x2000, s17;
	s17 =	sadd.s32 @!p1 s6, s18;
	s15 =	sshll.u32 @!p1 s15, $0x4  }
0x23: {  	s18 =	simm.s32 @!p1 $0x6400;
	s15 =	sadd.s32 @!p1 s15, s17;
	s17 =	simm.s32 @!p1 $0x40  }
0x24: {  	[tilespmem:s16], [sflag:$0x1] =	stream.strided.gather @!p1 [hbm4b:s15+s17], $0x2000, s18, s17, $0x38;
	[tilespmem:$0x8080] =	vst v63  }
0x25: {  	p1 =	sge.u32 s31, s5  }
.Ltmp2:
0x26: {  	_ = 	snop;
	(pc) =	sbr.rel @p1 .LBB1_5-.Ltmp2, $1  }
0x27: {  	_ =	sdelay $0x3  }
0x28: {  	s15 =	simm.s32 $0x1  }
0x29: {  	_ =	swait.ge [sflag:s4], $0x2000;
	s15 =	simm.s32 @!p0 $0x0  }
0x2a: {  	[sflag:s4] =	ssyncset.done $0x0;
	s16 =	sshll.u32 s15, $0xD  }
0x2b: {  	[sflag:s4] =	ssyncadd.s32 $0xFFFFE000;
	s19 =	sor.u32 $0x20, s16  }
0x2c: {  	s15 =	smul.u32 $0x8100, s15;
	v3 =	vld [tilespmem:s19+$0x10]  }
0x2d: {  	s30 =	sand.u32 $0x1, s12;
	v2 =	vld [tilespmem:s19+$0xFFFFFFF0]  }
0x2e: {  	s16 =	smul.u32 $0x8100, s30;
	s15 =	sshrl.u32 s15, $0x2;
	v0 =	vld [tilespmem:s19+$0x0]  }
0x2f: {  	v1 =	vld [tilespmem:s19+$0xFFFFFFE0];
	s17 =	sor.u32 $0x4000, s15  }
0x30: {  	s31 =	sshrl.u32 s16, $0x2;
	s16 =	sadd.s32 $0x0, s17  }
0x31: {  	s18 =	simm.s32 $0x4;
	s19 =	sadd.s32 $0x40, s19;
	s15 =	sor.u32 $0x4000, s31;
	[tilespmem:s16+$0x1830 ss:$0x81] =	vst.msk $0xffff, v3  }
.LBB1_3:
0x32: {  	v3 =	vld [tilespmem:s19+$0x10];
	p1 =	sne.s32 s18, $0x1FC;
	[tilespmem:s16+$0x810 ss:$0x81] =	vst.msk $0xffff, v2;
	s20 =	smov.u32 s18;
	s18 =	sadd.s32 $0x4, s18  }
.Ltmp3:
0x33: {  	v2 =	vld [tilespmem:s19+$0xFFFFFFF0];
	[tilespmem:s16+$0x1020 ss:$0x81] =	vst.msk $0xffff, v0;
	(pc) =	sbr.rel @p1 .LBB1_3-.Ltmp3, $4  }
0x34: {  	v0 =	vld [tilespmem:s19+$0x0];
	[tilespmem:s16+$0x0 ss:$0x81] =	vst.msk $0xffff, v1  }
0x35: {  	s16 =	sshra.s32 s20, $0x2;
	v1 =	vld [tilespmem:s19+$0xFFFFFFE0]  }
0x36: {  	s16 =	sadd.s32 s16, s17  }
0x37: {  	s19 =	sadd.s32 $0x40, s19;
	[tilespmem:s16+$0x1830 ss:$0x81] =	vst.msk $0xffff, v3  }
.Ltmp4:
0x38: {  	_ = 	snop;
	(pc) =	sbr.rel .LBB1_4-.Ltmp4, $1  }
0x39: {  	_ =	sdelay $0x3  }
.LBB1_6:
0x3a: {  	_ =	sfence.sel $0x180000  }
0x3b: {  	s2 =	simm.s32 $0x1;
	[bflag:$0x0] =	sbarrier.arrive $0xFFFF  }
0x3c: {  	s31 =	simm.s32 $0x2;
	[sflag:s2] =	ssyncpa.u1 $0x1  }
0x3d: {  	[sflag:s31] =	ssyncpa.u1 $0x1  }
0x3e: {  	p0 =	sne.s32 s0, $0x0;
	_ =	strace $0x9000004D  }
0x3f: {  	s0 =	sadd.s32 @!p0 $0x100000, s1;
	[bflag:$0x2] =	sbarrier.arrive $0xFFFF  }
0x40: {  	[sflag:s0] =	ssyncadd.tile.s32 @!p0 $0x1;
	_ =	shalt  }
.Lfunc_end1:
_tile_overlayer_lowered:
.L_overlay_start_2:
0x41: {  	(tag) =	ssettag $0x2  }
0x42: {  	s0 =	rddreg [dreg:$0x0];
	s2 =	stileid.u32  }
0x43: {  	s1 =	rddreg [dreg:$0x1];
	p0 =	sne.s32 s2, $0x0  }
0x44: {  	s3 =	rddreg [dreg:$0x2];
	[bflag:$0x3] =	sbarrier.arrive $0xFFFF;
	s2 =	simm.s32 @!p0 $0x1C01  }
0x45: {  	[timem:s3], [sflag:s2] =	dma.local @!p0 [hbm:s0], s1  }
0x46: {  	s0 =	simm.s32 @!p0 $0x1  }
0x47: {  	_ =	swait.ge @!p0 [sflag:s0], s1  }
0x48: {  	s1 =	ssub.s32 @!p0 $0x0, s1;
	[sflag:s0] =	ssyncset.done @!p0 $0x0  }
0x49: {  	[sflag:s0] =	ssyncadd.s32 @!p0 s1  }
0x4a: {  	[bflag:$0x3] =	sbarrier.arrive $0xFFFF  }
0x4b: {  	_ =	shalt  }

</sc_bundles>
